<compile_context>
chip_gen: v7x
topology: tpu7x:2x2x1
jax: 0.10.2.dev20260603
libtpu: 0.0.44.dev20260713+nightly
codegen_flags: <defaults>
</compile_context>

<pallas_src>
import functools

import jax
import jax.numpy as jnp
from jax import lax
from jax.experimental import pallas as pl
from jax.experimental.pallas import tpu as pltpu
from jax.experimental.pallas import tpu_sc as plsc

N = 10000
E = 320000
D = 128
B = 64
EPS_GIN = 1.0


_SC_K = 128
_SC_NBUF = 2


_SC_EPW = 10112


def _make_sc_scatter():
    info = plsc.get_sparse_core_info()
    NC, NS = info.num_cores, info.num_subcores
    NW = NC * NS
    EPW = _SC_EPW
    K = _SC_K
    CHUNKS = EPW // K
    NBUF = _SC_NBUF
    RPT = (N // NS) // 8 * 8
    TAIL = N - NS * RPT

    mesh = plsc.VectorSubcoreMesh(core_axis_name="c", subcore_axis_name="s")

    @functools.partial(
        pl.kernel,
        out_type=jax.ShapeDtypeStruct((NC, N, D), jnp.float32),
        mesh=mesh,
        scratch_types=[
            pltpu.VMEM((EPW,), jnp.int32),
            [pltpu.VMEM((K,), jnp.int32) for _ in range(NBUF)],
            [pltpu.VMEM((K, D), jnp.float32) for _ in range(NBUF)],
            [pltpu.SemaphoreType.DMA for _ in range(NBUF)],
            [pltpu.SemaphoreType.DMA for _ in range(NBUF)],
            pltpu.SemaphoreType.DMA,
            pltpu.SemaphoreType.DMA,
            pltpu.VMEM_SHARED((N, D), jnp.float32),
        ],
    )
    def sc_scatter(x_hbm, src_hbm, dst_hbm, zero_hbm, out_hbm,
                   src_v, dsts, rows, gsems, dsems, zsem, isem, acc_sh):
        c = lax.axis_index("c")
        s = lax.axis_index("s")
        wid = s * NC + c

        zero_cp = pltpu.make_async_copy(zero_hbm,
                                        acc_sh.at[pl.ds(s * RPT, RPT)], zsem)
        zero_cp.start()
        src_cp = pltpu.make_async_copy(src_hbm.at[wid], src_v, isem)
        src_cp.start()

        @pl.when(s == NS - 1)
        def _zero_tail():
            pltpu.sync_copy(zero_hbm.at[pl.ds(0, TAIL)],
                            acc_sh.at[pl.ds(NS * RPT, TAIL)])

        src_cp.wait()
        zero_cp.wait()
        plsc.subcore_barrier()

        dst_row = dst_hbm.at[wid]

        for b in range(NBUF):
            pltpu.async_copy(dst_row.at[pl.ds(b * K, K)], dsts[b], dsems[b])
            pltpu.async_copy(x_hbm.at[src_v.at[pl.ds(b * K, K)]], rows[b],
                             gsems[b])

        def step(i, b, refill):
            pltpu.make_async_copy(x_hbm.at[pl.ds(0, K)], rows[b],
                                  gsems[b]).wait()
            pltpu.make_async_copy(dst_row.at[pl.ds(0, K)], dsts[b],
                                  dsems[b]).wait()
            pltpu.sync_copy(rows[b], acc_sh.at[dsts[b]], add=True)
            if refill:
                nxt = i + NBUF
                pltpu.async_copy(dst_row.at[pl.ds(nxt * K, K)], dsts[b],
                                 dsems[b])
                pltpu.async_copy(x_hbm.at[src_v.at[pl.ds(nxt * K, K)]],
                                 rows[b], gsems[b])

        MAIN = (CHUNKS - NBUF - 1) // NBUF

        @pl.loop(0, MAIN)
        def _outer(o):
            for b in range(NBUF):
                step(o * NBUF + b, b, True)

        for i in range(MAIN * NBUF, CHUNKS):
            step(i, i % NBUF, i + NBUF < CHUNKS)

        plsc.subcore_barrier()
        pltpu.sync_copy(acc_sh.at[pl.ds(s * RPT, RPT)],
                        out_hbm.at[c].at[pl.ds(s * RPT, RPT)])

        @pl.when(s == NS - 1)
        def _write_tail():
            pltpu.sync_copy(acc_sh.at[pl.ds(NS * RPT, TAIL)],
                            out_hbm.at[c].at[pl.ds(NS * RPT, TAIL)])

    return sc_scatter


_sc_scatter = _make_sc_scatter()


def _tc_body(x_ref, parts_ref, batch_ref, W1_ref, b1_ref, W2_ref,
             b2_ref, ln1w_ref, ln1b_ref, ln2w_ref, ln2b_ref,
             out_x_ref, out_g_ref):
    x = x_ref[...]
    gids = lax.broadcasted_iota(jnp.int32, (N, B), 1)
    M = (batch_ref[...] == gids).astype(jnp.float32)
    ones_col = jnp.ones((N, 1), jnp.float32)
    deg = lax.dot_general(M, ones_col, (((0,), (0,)), ((), ())),
                          preferred_element_type=jnp.float32)
    deg = jnp.maximum(deg, 1.0)
    inv_norm = 1.0 / (deg * float(D))

    def layer_norm(h, w, bias):
        rs = jnp.sum(h, axis=1, keepdims=True)
        seg = lax.dot_general(M, rs, (((0,), (0,)), ((), ())),
                              preferred_element_type=jnp.float32)
        mean_g = seg * inv_norm
        mean_n = jnp.dot(M, mean_g, preferred_element_type=jnp.float32)
        hc = h - mean_n
        rs2 = jnp.sum(hc * hc, axis=1, keepdims=True)
        var_g = lax.dot_general(M, rs2, (((0,), (0,)), ((), ())),
                                preferred_element_type=jnp.float32) * inv_norm
        inv_g = lax.rsqrt(var_g + 1e-5)
        inv_n = jnp.dot(M, inv_g, preferred_element_type=jnp.float32)
        return hc * inv_n * w + bias

    hin = (1.0 + EPS_GIN) * x + parts_ref[0] + parts_ref[1]
    h = jnp.dot(hin, W1_ref[...], preferred_element_type=jnp.float32) + b1_ref[...]
    h = layer_norm(h, ln1w_ref[0, 0], ln1b_ref[0, 0])
    x1 = x + jnp.maximum(h, 0.0)

    h2 = jnp.dot(x1, W2_ref[...], preferred_element_type=jnp.float32) + b2_ref[...]
    h2 = layer_norm(h2, ln2w_ref[0, 0], ln2b_ref[0, 0])
    x2 = jnp.maximum(h2, 0.0)
    out_x_ref[...] = x2

    pool = lax.dot_general(M, x2, (((0,), (0,)), ((), ())),
                           preferred_element_type=jnp.float32)
    out_g_ref[...] = pool / deg


_tc_fused = pl.pallas_call(
    _tc_body,
    out_shape=[
        jax.ShapeDtypeStruct((N, D), jnp.float32),
        jax.ShapeDtypeStruct((B, D), jnp.float32),
    ],
)


def kernel(x, edge_index, batch, W1, b1, ln1_w, ln1_b, W2, b2, ln2_w, ln2_b):
    nw = 32
    pad = nw * _SC_EPW - E
    x_pad = jnp.concatenate([x, jnp.zeros((pad, D), jnp.float32)])
    src = jnp.concatenate(
        [edge_index[0],
         N + jnp.arange(pad, dtype=jnp.int32)]).reshape(nw, _SC_EPW)
    dst = jnp.concatenate(
        [edge_index[1],
         jnp.arange(pad, dtype=jnp.int32)]).reshape(nw, _SC_EPW)
    zero_block = jnp.zeros((624, D), jnp.float32)
    parts = _sc_scatter(x_pad, src, dst, zero_block)
    out_x, out_g = _tc_fused(
        x, parts, batch.reshape(N, 1),
        W1, b1.reshape(1, D), W2, b2.reshape(1, D),
        ln1_w.reshape(1, 1), ln1_b.reshape(1, 1),
        ln2_w.reshape(1, 1), ln2_b.reshape(1, 1),
    )
    return (out_x, out_g)

# --- scband reference (transcript-rebuilt; emitter-appended) ---
"""Pipeline reference for scband-gnn-layers-63745904607323 (READ-ONLY COPY).

The authoritative reference and input builder live on the scoring server;
editing this copy changes nothing except your own understanding.
"""

import jax, jax.numpy as jnp
import numpy as np

N = 10000
E = 320000
D = 128
B = 64
EPS_GIN = 1.0  # GINConv(nns, eps=True): eps value True -> 1.0, not trainable (train_eps=False)


def setup_inputs(seed: int = 0) -> dict:
    key = jax.random.key(seed)
    ks = jax.random.split(key, 8)
    x = jax.random.normal(ks[0], (N, D), dtype=jnp.float32)
    edge_index = jax.random.randint(ks[1], (2, E), 0, N, dtype=jnp.int32)
    batch = jnp.sort(jax.random.randint(ks[2], (N,), 0, B, dtype=jnp.int32))
    W1 = jax.random.normal(ks[3], (D, D), dtype=jnp.float32) * 0.05  # GIN nns linear weight (in,out layout)
    b1 = jax.random.normal(ks[4], (D,), dtype=jnp.float32) * 0.05
    ln1_w = jnp.ones((1,), dtype=jnp.float32)   # custom LayerNorm weight is a length-1 tensor
    ln1_b = jnp.zeros((1,), dtype=jnp.float32)
    W2 = jax.random.normal(ks[5], (D, D), dtype=jnp.float32) * 0.05  # ffn linear
    b2 = jax.random.normal(ks[6], (D,), dtype=jnp.float32) * 0.05
    ln2_w = jnp.ones((1,), dtype=jnp.float32)
    ln2_b = jnp.zeros((1,), dtype=jnp.float32)
    return {"x": x, "edge_index": edge_index, "batch": batch,
            "W1": W1, "b1": b1, "ln1_w": ln1_w, "ln1_b": ln1_b,
            "W2": W2, "b2": b2, "ln2_w": ln2_w, "ln2_b": ln2_b}


def _layer_norm_graph(h, batch, w, bias, num_graphs):
    # Faithful translation of the custom per-graph LayerNorm (batch is not None path)
    n, d = h.shape
    deg = jnp.clip(jax.ops.segment_sum(jnp.ones((n,), h.dtype), batch, num_segments=num_graphs), 1.0, None)
    norm = (deg * d)[:, None]
    mean = jnp.sum(jax.ops.segment_sum(h, batch, num_segments=num_graphs), axis=-1, keepdims=True) / norm
    h = h - mean[batch]
    var = jnp.sum(jax.ops.segment_sum(h * h, batch, num_segments=num_graphs), axis=-1, keepdims=True) / norm
    out = h / jnp.sqrt(var + 1e-5)[batch]
    return out * w + bias


def reference(x, edge_index, batch, W1, b1, ln1_w, ln1_b, W2, b2, ln2_w, ln2_b):
    n = x.shape[0]
    num_graphs = B
    src = edge_index[0]
    dst = edge_index[1]
    # GINConv: nns((1+eps)*x + sum_{j->i} x_j)
    agg = jax.ops.segment_sum(x[src], dst, num_segments=n)
    h = ((1.0 + EPS_GIN) * x + agg) @ W1 + b1
    h = _layer_norm_graph(h, batch, ln1_w, ln1_b, num_graphs)
    h = jax.nn.relu(h)
    x = x + h  # residual around gnn_layers (pGin=False)
    # ffn: Linear -> LayerNorm -> ReLU (no residual)
    h = x @ W2 + b2
    h = _layer_norm_graph(h, batch, ln2_w, ln2_b, num_graphs)
    x = jax.nn.relu(h)
    # global_mean_pool
    counts = jnp.clip(jax.ops.segment_sum(jnp.ones((n,), x.dtype), batch, num_segments=num_graphs), 1.0, None)
    graph_emds = jax.ops.segment_sum(x, batch, num_segments=num_graphs) / counts[:, None]
    # node_level_readout=None -> node_emds is None (omitted from returned tuple)
    return (x, graph_emds)

if __name__ == "__main__":
    import jax
    _d = setup_inputs()
    print(jax.jit(kernel)(*tuple(_d.values())))

</pallas_src>

<mosaic_0001>
#map = affine_map<(d0, d1) -> (0, 0)>
#map1 = affine_map<(d0, d1) -> (0, 0, 0)>
module attributes {stable_mosaic.version = 14 : i64} {
  func.func @sc_scatter(%arg0: i32, %arg1: i32, %arg2: memref<13584x128xf32, #tpu.memory_space<hbm>>, %arg3: memref<32x10112xi32, #tpu.memory_space<hbm>>, %arg4: memref<32x10112xi32, #tpu.memory_space<hbm>>, %arg5: memref<624x128xf32, #tpu.memory_space<hbm>>, %arg6: memref<2x10000x128xf32, #tpu.memory_space<hbm>>, %arg7: memref<10112xi32, #tpu.memory_space<vmem>>, %arg8: memref<128xi32, #tpu.memory_space<vmem>>, %arg9: memref<128xi32, #tpu.memory_space<vmem>>, %arg10: memref<128x128xf32, #tpu.memory_space<vmem>>, %arg11: memref<128x128xf32, #tpu.memory_space<vmem>>, %arg12: memref<!tpu.dma_semaphore, #tpu.memory_space<semaphore_mem>>, %arg13: memref<!tpu.dma_semaphore, #tpu.memory_space<semaphore_mem>>, %arg14: memref<!tpu.dma_semaphore, #tpu.memory_space<semaphore_mem>>, %arg15: memref<!tpu.dma_semaphore, #tpu.memory_space<semaphore_mem>>, %arg16: memref<!tpu.dma_semaphore, #tpu.memory_space<semaphore_mem>>, %arg17: memref<!tpu.dma_semaphore, #tpu.memory_space<semaphore_mem>>, %arg18: memref<10000x128xf32, #tpu.memory_space<vmem_shared>>) attributes {dimension_semantics = [#tpu.dimension_semantics<core_parallel>, #tpu.dimension_semantics<subcore_parallel>], iteration_bounds = array<i64: 2, 16>, scalar_prefetch = 0 : i64, scratch_operands = 12 : i64, tpu.core_type = #tpu.core_type<sc_vector_subcore>, window_params = [{transform_indices = #map}, {transform_indices = #map}, {transform_indices = #map}, {transform_indices = #map}, {transform_indices = #map1}]} {
    %mul3A = arith.constant 2 : i32
    %mul3A_0 = arith.muli %arg1, %mul3A : i32
    %add3A = arith.addi %mul3A_0, %arg0 : i32
    %mul3A_1 = arith.constant 624 : i32
    %mul3A_2 = arith.muli %arg1, %mul3A_1 : i32
    %dma_start3A = arith.constant 0 : i32
    %dma_start3A_3 = tpu.memref_slice %arg18[%mul3A_2, %dma_start3A] : memref<10000x128xf32, #tpu.memory_space<vmem_shared>> -> memref<624x128xf32, #tpu.memory_space<vmem_shared>>
    tpu.enqueue_dma source(%arg5 : memref<624x128xf32, #tpu.memory_space<hbm>>) target(%dma_start3A_3 : memref<624x128xf32, #tpu.memory_space<vmem_shared>>) target_semaphore(%arg16 : memref<!tpu.dma_semaphore, #tpu.memory_space<semaphore_mem>>)
    %dma_start3A_4 = arith.constant 0 : i32
    %dma_start3A_5 = tpu.memref_slice %arg3[%add3A, %dma_start3A_4] : memref<32x10112xi32, #tpu.memory_space<hbm>> -> memref<1x10112xi32, #tpu.memory_space<hbm>>
    %dma_start3A_6 = tpu.memref_squeeze %dma_start3A_5 : memref<1x10112xi32, #tpu.memory_space<hbm>> -> memref<10112xi32, #tpu.memory_space<hbm>>
    %dma_start3A_7 = arith.constant 0 : i32
    %dma_start3A_8 = tpu.memref_slice %arg3[%add3A, %dma_start3A_7] : memref<32x10112xi32, #tpu.memory_space<hbm>> -> memref<1x10112xi32, #tpu.memory_space<hbm>>
    %dma_start3A_9 = tpu.memref_squeeze %dma_start3A_8 : memref<1x10112xi32, #tpu.memory_space<hbm>> -> memref<10112xi32, #tpu.memory_space<hbm>>
    tpu.enqueue_dma source(%dma_start3A_9 : memref<10112xi32, #tpu.memory_space<hbm>>) target(%arg7 : memref<10112xi32, #tpu.memory_space<vmem>>) target_semaphore(%arg17 : memref<!tpu.dma_semaphore, #tpu.memory_space<semaphore_mem>>)
    %eq3A = arith.constant 15 : i32
    %eq3A_10 = arith.cmpi eq, %arg1, %eq3A : i32
    %convert_element_type3A = arith.extui %eq3A_10 : i1 to i32
    %cond3A = arith.constant 0 : i32
    %cond3A_11 = arith.cmpi ne, %convert_element_type3A, %cond3A : i32
    scf.if %cond3A_11 {
      "tpu.region"() ({
        %run_scoped3A = tpu.sem_alloc : memref<!tpu.dma_semaphore, #tpu.memory_space<semaphore_mem>>
        %dma_start3A_126 = arith.constant 9984 : i32
        %dma_start3A_127 = arith.constant 0 : i32
        %dma_start3A_128 = tpu.memref_slice %arg18[%dma_start3A_126, %dma_start3A_127] : memref<10000x128xf32, #tpu.memory_space<vmem_shared>> -> memref<16x128xf32, #tpu.memory_space<vmem_shared>>
        %dma_start3A_129 = arith.constant 0 : i32
        %dma_start3A_130 = arith.constant 0 : i32
        %dma_start3A_131 = tpu.memref_slice %arg5[%dma_start3A_129, %dma_start3A_130] : memref<624x128xf32, #tpu.memory_space<hbm>> -> memref<16x128xf32, #tpu.memory_space<hbm>>
        tpu.enqueue_dma source(%dma_start3A_131 : memref<16x128xf32, #tpu.memory_space<hbm>>) target(%dma_start3A_128 : memref<16x128xf32, #tpu.memory_space<vmem_shared>>) target_semaphore(%run_scoped3A : memref<!tpu.dma_semaphore, #tpu.memory_space<semaphore_mem>>)
        %dma_wait3A_132 = arith.constant 9984 : i32
        %dma_wait3A_133 = arith.constant 0 : i32
        %dma_wait3A_134 = tpu.memref_slice %arg18[%dma_wait3A_132, %dma_wait3A_133] : memref<10000x128xf32, #tpu.memory_space<vmem_shared>> -> memref<16x128xf32, #tpu.memory_space<vmem_shared>>
        %dma_wait3A_135 = arith.constant 0 : i32
        %dma_wait3A_136 = arith.constant 0 : i32
        %dma_wait3A_137 = tpu.memref_slice %arg5[%dma_wait3A_135, %dma_wait3A_136] : memref<624x128xf32, #tpu.memory_space<hbm>> -> memref<16x128xf32, #tpu.memory_space<hbm>>
        tpu.wait_dma2 semaphore(%run_scoped3A : memref<!tpu.dma_semaphore, #tpu.memory_space<semaphore_mem>>) src(%dma_wait3A_137 : memref<16x128xf32, #tpu.memory_space<hbm>>) dst(%dma_wait3A_134 : memref<16x128xf32, #tpu.memory_space<vmem_shared>>)
        tpu.yield
      }) : () -> ()
    } else {
    }
    %dma_wait3A = arith.constant 0 : i32
    %dma_wait3A_12 = tpu.memref_slice %arg3[%add3A, %dma_wait3A] : memref<32x10112xi32, #tpu.memory_space<hbm>> -> memref<1x10112xi32, #tpu.memory_space<hbm>>
    %dma_wait3A_13 = tpu.memref_squeeze %dma_wait3A_12 : memref<1x10112xi32, #tpu.memory_space<hbm>> -> memref<10112xi32, #tpu.memory_space<hbm>>
    %dma_wait3A_14 = arith.constant 0 : i32
    %dma_wait3A_15 = tpu.memref_slice %arg3[%add3A, %dma_wait3A_14] : memref<32x10112xi32, #tpu.memory_space<hbm>> -> memref<1x10112xi32, #tpu.memory_space<hbm>>
    %dma_wait3A_16 = tpu.memref_squeeze %dma_wait3A_15 : memref<1x10112xi32, #tpu.memory_space<hbm>> -> memref<10112xi32, #tpu.memory_space<hbm>>
    tpu.wait_dma2 semaphore(%arg17 : memref<!tpu.dma_semaphore, #tpu.memory_space<semaphore_mem>>) src(%dma_wait3A_16 : memref<10112xi32, #tpu.memory_space<hbm>>) dst(%arg7 : memref<10112xi32, #tpu.memory_space<vmem>>)
    %dma_wait3A_17 = arith.constant 0 : i32
    %dma_wait3A_18 = tpu.memref_slice %arg18[%mul3A_2, %dma_wait3A_17] : memref<10000x128xf32, #tpu.memory_space<vmem_shared>> -> memref<624x128xf32, #tpu.memory_space<vmem_shared>>
    tpu.wait_dma2 semaphore(%arg16 : memref<!tpu.dma_semaphore, #tpu.memory_space<semaphore_mem>>) src(%arg5 : memref<624x128xf32, #tpu.memory_space<hbm>>) dst(%dma_wait3A_18 : memref<624x128xf32, #tpu.memory_space<vmem_shared>>)
    %barrier3A = arith.constant 0 : index
    tpu.barrier barrier_id(%barrier3A)
    %dma_start3A_19 = arith.constant 0 : i32
    %dma_start3A_20 = tpu.memref_slice %arg4[%add3A, %dma_start3A_19] : memref<32x10112xi32, #tpu.memory_space<hbm>> -> memref<1x10112xi32, #tpu.memory_space<hbm>>
    %dma_start3A_21 = tpu.memref_squeeze %dma_start3A_20 : memref<1x10112xi32, #tpu.memory_space<hbm>> -> memref<10112xi32, #tpu.memory_space<hbm>>
    %dma_start3A_22 = arith.constant 0 : i32
    %dma_start3A_23 = tpu.memref_slice %dma_start3A_21[%dma_start3A_22] : memref<10112xi32, #tpu.memory_space<hbm>> -> memref<128xi32, #tpu.memory_space<hbm>>
    %dma_start3A_24 = arith.constant 0 : i32
    %dma_start3A_25 = tpu.memref_slice %arg4[%add3A, %dma_start3A_24] : memref<32x10112xi32, #tpu.memory_space<hbm>> -> memref<1x10112xi32, #tpu.memory_space<hbm>>
    %dma_start3A_26 = tpu.memref_squeeze %dma_start3A_25 : memref<1x10112xi32, #tpu.memory_space<hbm>> -> memref<10112xi32, #tpu.memory_space<hbm>>
    %dma_start3A_27 = arith.constant 0 : i32
    %dma_start3A_28 = tpu.memref_slice %dma_start3A_26[%dma_start3A_27] : memref<10112xi32, #tpu.memory_space<hbm>> -> memref<128xi32, #tpu.memory_space<hbm>>
    tpu.enqueue_dma source(%dma_start3A_28 : memref<128xi32, #tpu.memory_space<hbm>>) target(%arg8 : memref<128xi32, #tpu.memory_space<vmem>>) target_semaphore(%arg14 : memref<!tpu.dma_semaphore, #tpu.memory_space<semaphore_mem>>)
    %dma_start3A_29 = arith.constant 0 : i32
    %dma_start3A_30 = tpu.memref_slice %arg7[%dma_start3A_29] : memref<10112xi32, #tpu.memory_space<vmem>> -> memref<128xi32, #tpu.memory_space<vmem>>
    %dma_start3A_31 = arith.constant 0 : i32
    %dma_start3A_32 = arith.constant 0 : i32
    %dma_start3A_33 = tpu.memref_slice %arg2[%dma_start3A_31, %dma_start3A_32] : memref<13584x128xf32, #tpu.memory_space<hbm>> -> memref<13584x128xf32, #tpu.memory_space<hbm>>
    tpu.enqueue_indirect_dma source(%dma_start3A_33 : memref<13584x128xf32, #tpu.memory_space<hbm>>) target(%arg10 : memref<128x128xf32, #tpu.memory_space<vmem>>) offsets(%dma_start3A_30 : memref<128xi32, #tpu.memory_space<vmem>>) semaphore(%arg12 : memref<!tpu.dma_semaphore, #tpu.memory_space<semaphore_mem>>)
    %dma_start3A_34 = arith.constant 0 : i32
    %dma_start3A_35 = tpu.memref_slice %arg4[%add3A, %dma_start3A_34] : memref<32x10112xi32, #tpu.memory_space<hbm>> -> memref<1x10112xi32, #tpu.memory_space<hbm>>
    %dma_start3A_36 = tpu.memref_squeeze %dma_start3A_35 : memref<1x10112xi32, #tpu.memory_space<hbm>> -> memref<10112xi32, #tpu.memory_space<hbm>>
    %dma_start3A_37 = arith.constant 128 : i32
    %dma_start3A_38 = tpu.memref_slice %dma_start3A_36[%dma_start3A_37] : memref<10112xi32, #tpu.memory_space<hbm>> -> memref<128xi32, #tpu.memory_space<hbm>>
    %dma_start3A_39 = arith.constant 0 : i32
    %dma_start3A_40 = tpu.memref_slice %arg4[%add3A, %dma_start3A_39] : memref<32x10112xi32, #tpu.memory_space<hbm>> -> memref<1x10112xi32, #tpu.memory_space<hbm>>
    %dma_start3A_41 = tpu.memref_squeeze %dma_start3A_40 : memref<1x10112xi32, #tpu.memory_space<hbm>> -> memref<10112xi32, #tpu.memory_space<hbm>>
    %dma_start3A_42 = arith.constant 128 : i32
    %dma_start3A_43 = tpu.memref_slice %dma_start3A_41[%dma_start3A_42] : memref<10112xi32, #tpu.memory_space<hbm>> -> memref<128xi32, #tpu.memory_space<hbm>>
    tpu.enqueue_dma source(%dma_start3A_43 : memref<128xi32, #tpu.memory_space<hbm>>) target(%arg9 : memref<128xi32, #tpu.memory_space<vmem>>) target_semaphore(%arg15 : memref<!tpu.dma_semaphore, #tpu.memory_space<semaphore_mem>>)
    %dma_start3A_44 = arith.constant 128 : i32
    %dma_start3A_45 = tpu.memref_slice %arg7[%dma_start3A_44] : memref<10112xi32, #tpu.memory_space<vmem>> -> memref<128xi32, #tpu.memory_space<vmem>>
    %dma_start3A_46 = arith.constant 0 : i32
    %dma_start3A_47 = arith.constant 0 : i32
    %dma_start3A_48 = tpu.memref_slice %arg2[%dma_start3A_46, %dma_start3A_47] : memref<13584x128xf32, #tpu.memory_space<hbm>> -> memref<13584x128xf32, #tpu.memory_space<hbm>>
    tpu.enqueue_indirect_dma source(%dma_start3A_48 : memref<13584x128xf32, #tpu.memory_space<hbm>>) target(%arg11 : memref<128x128xf32, #tpu.memory_space<vmem>>) offsets(%dma_start3A_45 : memref<128xi32, #tpu.memory_space<vmem>>) semaphore(%arg13 : memref<!tpu.dma_semaphore, #tpu.memory_space<semaphore_mem>>)
    %scan3A = arith.constant 0 : i32
    %scan3A_49 = arith.constant 38 : i32
    %scan3A_50 = arith.addi %scan3A, %scan3A_49 : i32
    %scan3A_51 = arith.constant 1 : i32
    scf.for %scan3A_126 = %scan3A to %scan3A_50 step %scan3A_51  : i32 {
      %mul3A_127 = arith.constant 1 : i32
      %mul3A_128 = arith.muli %scan3A_126, %mul3A_127 : i32
      %add3A_129 = arith.constant 0 : i32
      %add3A_130 = arith.addi %add3A_129, %mul3A_128 : i32
      %mul3A_131 = arith.constant 2 : i32
      %mul3A_132 = arith.muli %add3A_130, %mul3A_131 : i32
      %add3A_133 = arith.constant 0 : i32
      %add3A_134 = arith.addi %mul3A_132, %add3A_133 : i32
      %dma_wait3A_135 = arith.constant 0 : i32
      %dma_wait3A_136 = arith.constant 0 : i32
      %dma_wait3A_137 = tpu.memref_slice %arg2[%dma_wait3A_135, %dma_wait3A_136] : memref<13584x128xf32, #tpu.memory_space<hbm>> -> memref<128x128xf32, #tpu.memory_space<hbm>>
      %dma_wait3A_138 = arith.constant 0 : i32
      %dma_wait3A_139 = arith.constant 0 : i32
      %dma_wait3A_140 = tpu.memref_slice %arg2[%dma_wait3A_138, %dma_wait3A_139] : memref<13584x128xf32, #tpu.memory_space<hbm>> -> memref<128x128xf32, #tpu.memory_space<hbm>>
      tpu.wait_dma2 semaphore(%arg12 : memref<!tpu.dma_semaphore, #tpu.memory_space<semaphore_mem>>) src(%dma_wait3A_140 : memref<128x128xf32, #tpu.memory_space<hbm>>) dst(%arg10 : memref<128x128xf32, #tpu.memory_space<vmem>>)
      %dma_wait3A_141 = arith.constant 0 : i32
      %dma_wait3A_142 = tpu.memref_slice %arg4[%add3A, %dma_wait3A_141] : memref<32x10112xi32, #tpu.memory_space<hbm>> -> memref<1x10112xi32, #tpu.memory_space<hbm>>
      %dma_wait3A_143 = tpu.memref_squeeze %dma_wait3A_142 : memref<1x10112xi32, #tpu.memory_space<hbm>> -> memref<10112xi32, #tpu.memory_space<hbm>>
      %dma_wait3A_144 = arith.constant 0 : i32
      %dma_wait3A_145 = tpu.memref_slice %dma_wait3A_143[%dma_wait3A_144] : memref<10112xi32, #tpu.memory_space<hbm>> -> memref<128xi32, #tpu.memory_space<hbm>>
      %dma_wait3A_146 = arith.constant 0 : i32
      %dma_wait3A_147 = tpu.memref_slice %arg4[%add3A, %dma_wait3A_146] : memref<32x10112xi32, #tpu.memory_space<hbm>> -> memref<1x10112xi32, #tpu.memory_space<hbm>>
      %dma_wait3A_148 = tpu.memref_squeeze %dma_wait3A_147 : memref<1x10112xi32, #tpu.memory_space<hbm>> -> memref<10112xi32, #tpu.memory_space<hbm>>
      %dma_wait3A_149 = arith.constant 0 : i32
      %dma_wait3A_150 = tpu.memref_slice %dma_wait3A_148[%dma_wait3A_149] : memref<10112xi32, #tpu.memory_space<hbm>> -> memref<128xi32, #tpu.memory_space<hbm>>
      tpu.wait_dma2 semaphore(%arg14 : memref<!tpu.dma_semaphore, #tpu.memory_space<semaphore_mem>>) src(%dma_wait3A_150 : memref<128xi32, #tpu.memory_space<hbm>>) dst(%arg8 : memref<128xi32, #tpu.memory_space<vmem>>)
      "tpu.region"() ({
        %run_scoped3A = tpu.sem_alloc : memref<!tpu.dma_semaphore, #tpu.memory_space<semaphore_mem>>
        %dma_start3A_207 = arith.constant 0 : i32
        %dma_start3A_208 = arith.constant 0 : i32
        %dma_start3A_209 = tpu.memref_slice %arg18[%dma_start3A_207, %dma_start3A_208] : memref<10000x128xf32, #tpu.memory_space<vmem_shared>> -> memref<10000x128xf32, #tpu.memory_space<vmem_shared>>
        tpu.enqueue_indirect_dma source(%arg10 : memref<128x128xf32, #tpu.memory_space<vmem>>) target(%dma_start3A_209 : memref<10000x128xf32, #tpu.memory_space<vmem_shared>>) offsets(%arg8 : memref<128xi32, #tpu.memory_space<vmem>>) semaphore(%run_scoped3A : memref<!tpu.dma_semaphore, #tpu.memory_space<semaphore_mem>>) {add = true}
        %dma_wait3A_210 = arith.constant 0 : i32
        %dma_wait3A_211 = arith.constant 0 : i32
        %dma_wait3A_212 = tpu.memref_slice %arg18[%dma_wait3A_210, %dma_wait3A_211] : memref<10000x128xf32, #tpu.memory_space<vmem_shared>> -> memref<10000x128xf32, #tpu.memory_space<vmem_shared>>
        tpu.wait_indirect_dma semaphore(%run_scoped3A : memref<!tpu.dma_semaphore, #tpu.memory_space<semaphore_mem>>) src(%arg10 : memref<128x128xf32, #tpu.memory_space<vmem>>) dst(%dma_wait3A_212 : memref<10000x128xf32, #tpu.memory_space<vmem_shared>>)
        tpu.yield
      }) : () -> ()
      %add3A_151 = arith.constant 2 : i32
      %add3A_152 = arith.addi %add3A_134, %add3A_151 : i32
      %mul3A_153 = arith.constant 128 : i32
      %mul3A_154 = arith.muli %add3A_152, %mul3A_153 : i32
      %dma_start3A_155 = arith.constant 0 : i32
      %dma_start3A_156 = tpu.memref_slice %arg4[%add3A, %dma_start3A_155] : memref<32x10112xi32, #tpu.memory_space<hbm>> -> memref<1x10112xi32, #tpu.memory_space<hbm>>
      %dma_start3A_157 = tpu.memref_squeeze %dma_start3A_156 : memref<1x10112xi32, #tpu.memory_space<hbm>> -> memref<10112xi32, #tpu.memory_space<hbm>>
      %dma_start3A_158 = tpu.memref_slice %dma_start3A_157[%mul3A_154] : memref<10112xi32, #tpu.memory_space<hbm>> -> memref<128xi32, #tpu.memory_space<hbm>>
      %dma_start3A_159 = arith.constant 0 : i32
      %dma_start3A_160 = tpu.memref_slice %arg4[%add3A, %dma_start3A_159] : memref<32x10112xi32, #tpu.memory_space<hbm>> -> memref<1x10112xi32, #tpu.memory_space<hbm>>
      %dma_start3A_161 = tpu.memref_squeeze %dma_start3A_160 : memref<1x10112xi32, #tpu.memory_space<hbm>> -> memref<10112xi32, #tpu.memory_space<hbm>>
      %dma_start3A_162 = tpu.memref_slice %dma_start3A_161[%mul3A_154] : memref<10112xi32, #tpu.memory_space<hbm>> -> memref<128xi32, #tpu.memory_space<hbm>>
      tpu.enqueue_dma source(%dma_start3A_162 : memref<128xi32, #tpu.memory_space<hbm>>) target(%arg8 : memref<128xi32, #tpu.memory_space<vmem>>) target_semaphore(%arg14 : memref<!tpu.dma_semaphore, #tpu.memory_space<semaphore_mem>>)
      %mul3A_163 = arith.constant 128 : i32
      %mul3A_164 = arith.muli %add3A_152, %mul3A_163 : i32
      %dma_start3A_165 = tpu.memref_slice %arg7[%mul3A_164] : memref<10112xi32, #tpu.memory_space<vmem>> -> memref<128xi32, #tpu.memory_space<vmem>>
      %dma_start3A_166 = arith.constant 0 : i32
      %dma_start3A_167 = arith.constant 0 : i32
      %dma_start3A_168 = tpu.memref_slice %arg2[%dma_start3A_166, %dma_start3A_167] : memref<13584x128xf32, #tpu.memory_space<hbm>> -> memref<13584x128xf32, #tpu.memory_space<hbm>>
      tpu.enqueue_indirect_dma source(%dma_start3A_168 : memref<13584x128xf32, #tpu.memory_space<hbm>>) target(%arg10 : memref<128x128xf32, #tpu.memory_space<vmem>>) offsets(%dma_start3A_165 : memref<128xi32, #tpu.memory_space<vmem>>) semaphore(%arg12 : memref<!tpu.dma_semaphore, #tpu.memory_space<semaphore_mem>>)
      %mul3A_169 = arith.constant 2 : i32
      %mul3A_170 = arith.muli %add3A_130, %mul3A_169 : i32
      %add3A_171 = arith.constant 1 : i32
      %add3A_172 = arith.addi %mul3A_170, %add3A_171 : i32
      %dma_wait3A_173 = arith.constant 0 : i32
      %dma_wait3A_174 = arith.constant 0 : i32
      %dma_wait3A_175 = tpu.memref_slice %arg2[%dma_wait3A_173, %dma_wait3A_174] : memref<13584x128xf32, #tpu.memory_space<hbm>> -> memref<128x128xf32, #tpu.memory_space<hbm>>
      %dma_wait3A_176 = arith.constant 0 : i32
      %dma_wait3A_177 = arith.constant 0 : i32
      %dma_wait3A_178 = tpu.memref_slice %arg2[%dma_wait3A_176, %dma_wait3A_177] : memref<13584x128xf32, #tpu.memory_space<hbm>> -> memref<128x128xf32, #tpu.memory_space<hbm>>
      tpu.wait_dma2 semaphore(%arg13 : memref<!tpu.dma_semaphore, #tpu.memory_space<semaphore_mem>>) src(%dma_wait3A_178 : memref<128x128xf32, #tpu.memory_space<hbm>>) dst(%arg11 : memref<128x128xf32, #tpu.memory_space<vmem>>)
      %dma_wait3A_179 = arith.constant 0 : i32
      %dma_wait3A_180 = tpu.memref_slice %arg4[%add3A, %dma_wait3A_179] : memref<32x10112xi32, #tpu.memory_space<hbm>> -> memref<1x10112xi32, #tpu.memory_space<hbm>>
      %dma_wait3A_181 = tpu.memref_squeeze %dma_wait3A_180 : memref<1x10112xi32, #tpu.memory_space<hbm>> -> memref<10112xi32, #tpu.memory_space<hbm>>
      %dma_wait3A_182 = arith.constant 0 : i32
      %dma_wait3A_183 = tpu.memref_slice %dma_wait3A_181[%dma_wait3A_182] : memref<10112xi32, #tpu.memory_space<hbm>> -> memref<128xi32, #tpu.memory_space<hbm>>
      %dma_wait3A_184 = arith.constant 0 : i32
      %dma_wait3A_185 = tpu.memref_slice %arg4[%add3A, %dma_wait3A_184] : memref<32x10112xi32, #tpu.memory_space<hbm>> -> memref<1x10112xi32, #tpu.memory_space<hbm>>
      %dma_wait3A_186 = tpu.memref_squeeze %dma_wait3A_185 : memref<1x10112xi32, #tpu.memory_space<hbm>> -> memref<10112xi32, #tpu.memory_space<hbm>>
      %dma_wait3A_187 = arith.constant 0 : i32
      %dma_wait3A_188 = tpu.memref_slice %dma_wait3A_186[%dma_wait3A_187] : memref<10112xi32, #tpu.memory_space<hbm>> -> memref<128xi32, #tpu.memory_space<hbm>>
      tpu.wait_dma2 semaphore(%arg15 : memref<!tpu.dma_semaphore, #tpu.memory_space<semaphore_mem>>) src(%dma_wait3A_188 : memref<128xi32, #tpu.memory_space<hbm>>) dst(%arg9 : memref<128xi32, #tpu.memory_space<vmem>>)
      "tpu.region"() ({
        %run_scoped3A = tpu.sem_alloc : memref<!tpu.dma_semaphore, #tpu.memory_space<semaphore_mem>>
        %dma_start3A_207 = arith.constant 0 : i32
        %dma_start3A_208 = arith.constant 0 : i32
        %dma_start3A_209 = tpu.memref_slice %arg18[%dma_start3A_207, %dma_start3A_208] : memref<10000x128xf32, #tpu.memory_space<vmem_shared>> -> memref<10000x128xf32, #tpu.memory_space<vmem_shared>>
        tpu.enqueue_indirect_dma source(%arg11 : memref<128x128xf32, #tpu.memory_space<vmem>>) target(%dma_start3A_209 : memref<10000x128xf32, #tpu.memory_space<vmem_shared>>) offsets(%arg9 : memref<128xi32, #tpu.memory_space<vmem>>) semaphore(%run_scoped3A : memref<!tpu.dma_semaphore, #tpu.memory_space<semaphore_mem>>) {add = true}
        %dma_wait3A_210 = arith.constant 0 : i32
        %dma_wait3A_211 = arith.constant 0 : i32
        %dma_wait3A_212 = tpu.memref_slice %arg18[%dma_wait3A_210, %dma_wait3A_211] : memref<10000x128xf32, #tpu.memory_space<vmem_shared>> -> memref<10000x128xf32, #tpu.memory_space<vmem_shared>>
        tpu.wait_indirect_dma semaphore(%run_scoped3A : memref<!tpu.dma_semaphore, #tpu.memory_space<semaphore_mem>>) src(%arg11 : memref<128x128xf32, #tpu.memory_space<vmem>>) dst(%dma_wait3A_212 : memref<10000x128xf32, #tpu.memory_space<vmem_shared>>)
        tpu.yield
      }) : () -> ()
      %add3A_189 = arith.constant 2 : i32
      %add3A_190 = arith.addi %add3A_172, %add3A_189 : i32
      %mul3A_191 = arith.constant 128 : i32
      %mul3A_192 = arith.muli %add3A_190, %mul3A_191 : i32
      %dma_start3A_193 = arith.constant 0 : i32
      %dma_start3A_194 = tpu.memref_slice %arg4[%add3A, %dma_start3A_193] : memref<32x10112xi32, #tpu.memory_space<hbm>> -> memref<1x10112xi32, #tpu.memory_space<hbm>>
      %dma_start3A_195 = tpu.memref_squeeze %dma_start3A_194 : memref<1x10112xi32, #tpu.memory_space<hbm>> -> memref<10112xi32, #tpu.memory_space<hbm>>
      %dma_start3A_196 = tpu.memref_slice %dma_start3A_195[%mul3A_192] : memref<10112xi32, #tpu.memory_space<hbm>> -> memref<128xi32, #tpu.memory_space<hbm>>
      %dma_start3A_197 = arith.constant 0 : i32
      %dma_start3A_198 = tpu.memref_slice %arg4[%add3A, %dma_start3A_197] : memref<32x10112xi32, #tpu.memory_space<hbm>> -> memref<1x10112xi32, #tpu.memory_space<hbm>>
      %dma_start3A_199 = tpu.memref_squeeze %dma_start3A_198 : memref<1x10112xi32, #tpu.memory_space<hbm>> -> memref<10112xi32, #tpu.memory_space<hbm>>
      %dma_start3A_200 = tpu.memref_slice %dma_start3A_199[%mul3A_192] : memref<10112xi32, #tpu.memory_space<hbm>> -> memref<128xi32, #tpu.memory_space<hbm>>
      tpu.enqueue_dma source(%dma_start3A_200 : memref<128xi32, #tpu.memory_space<hbm>>) target(%arg9 : memref<128xi32, #tpu.memory_space<vmem>>) target_semaphore(%arg15 : memref<!tpu.dma_semaphore, #tpu.memory_space<semaphore_mem>>)
      %mul3A_201 = arith.constant 128 : i32
      %mul3A_202 = arith.muli %add3A_190, %mul3A_201 : i32
      %dma_start3A_203 = tpu.memref_slice %arg7[%mul3A_202] : memref<10112xi32, #tpu.memory_space<vmem>> -> memref<128xi32, #tpu.memory_space<vmem>>
      %dma_start3A_204 = arith.constant 0 : i32
      %dma_start3A_205 = arith.constant 0 : i32
      %dma_start3A_206 = tpu.memref_slice %arg2[%dma_start3A_204, %dma_start3A_205] : memref<13584x128xf32, #tpu.memory_space<hbm>> -> memref<13584x128xf32, #tpu.memory_space<hbm>>
      tpu.enqueue_indirect_dma source(%dma_start3A_206 : memref<13584x128xf32, #tpu.memory_space<hbm>>) target(%arg11 : memref<128x128xf32, #tpu.memory_space<vmem>>) offsets(%dma_start3A_203 : memref<128xi32, #tpu.memory_space<vmem>>) semaphore(%arg13 : memref<!tpu.dma_semaphore, #tpu.memory_space<semaphore_mem>>)
    }
    %scan3A_52 = arith.constant 38 : i32
    %dma_wait3A_53 = arith.constant 0 : i32
    %dma_wait3A_54 = arith.constant 0 : i32
    %dma_wait3A_55 = tpu.memref_slice %arg2[%dma_wait3A_53, %dma_wait3A_54] : memref<13584x128xf32, #tpu.memory_space<hbm>> -> memref<128x128xf32, #tpu.memory_space<hbm>>
    %dma_wait3A_56 = arith.constant 0 : i32
    %dma_wait3A_57 = arith.constant 0 : i32
    %dma_wait3A_58 = tpu.memref_slice %arg2[%dma_wait3A_56, %dma_wait3A_57] : memref<13584x128xf32, #tpu.memory_space<hbm>> -> memref<128x128xf32, #tpu.memory_space<hbm>>
    tpu.wait_dma2 semaphore(%arg12 : memref<!tpu.dma_semaphore, #tpu.memory_space<semaphore_mem>>) src(%dma_wait3A_58 : memref<128x128xf32, #tpu.memory_space<hbm>>) dst(%arg10 : memref<128x128xf32, #tpu.memory_space<vmem>>)
    %dma_wait3A_59 = arith.constant 0 : i32
    %dma_wait3A_60 = tpu.memref_slice %arg4[%add3A, %dma_wait3A_59] : memref<32x10112xi32, #tpu.memory_space<hbm>> -> memref<1x10112xi32, #tpu.memory_space<hbm>>
    %dma_wait3A_61 = tpu.memref_squeeze %dma_wait3A_60 : memref<1x10112xi32, #tpu.memory_space<hbm>> -> memref<10112xi32, #tpu.memory_space<hbm>>
    %dma_wait3A_62 = arith.constant 0 : i32
    %dma_wait3A_63 = tpu.memref_slice %dma_wait3A_61[%dma_wait3A_62] : memref<10112xi32, #tpu.memory_space<hbm>> -> memref<128xi32, #tpu.memory_space<hbm>>
    %dma_wait3A_64 = arith.constant 0 : i32
    %dma_wait3A_65 = tpu.memref_slice %arg4[%add3A, %dma_wait3A_64] : memref<32x10112xi32, #tpu.memory_space<hbm>> -> memref<1x10112xi32, #tpu.memory_space<hbm>>
    %dma_wait3A_66 = tpu.memref_squeeze %dma_wait3A_65 : memref<1x10112xi32, #tpu.memory_space<hbm>> -> memref<10112xi32, #tpu.memory_space<hbm>>
    %dma_wait3A_67 = arith.constant 0 : i32
    %dma_wait3A_68 = tpu.memref_slice %dma_wait3A_66[%dma_wait3A_67] : memref<10112xi32, #tpu.memory_space<hbm>> -> memref<128xi32, #tpu.memory_space<hbm>>
    tpu.wait_dma2 semaphore(%arg14 : memref<!tpu.dma_semaphore, #tpu.memory_space<semaphore_mem>>) src(%dma_wait3A_68 : memref<128xi32, #tpu.memory_space<hbm>>) dst(%arg8 : memref<128xi32, #tpu.memory_space<vmem>>)
    "tpu.region"() ({
      %run_scoped3A = tpu.sem_alloc : memref<!tpu.dma_semaphore, #tpu.memory_space<semaphore_mem>>
      %dma_start3A_126 = arith.constant 0 : i32
      %dma_start3A_127 = arith.constant 0 : i32
      %dma_start3A_128 = tpu.memref_slice %arg18[%dma_start3A_126, %dma_start3A_127] : memref<10000x128xf32, #tpu.memory_space<vmem_shared>> -> memref<10000x128xf32, #tpu.memory_space<vmem_shared>>
      tpu.enqueue_indirect_dma source(%arg10 : memref<128x128xf32, #tpu.memory_space<vmem>>) target(%dma_start3A_128 : memref<10000x128xf32, #tpu.memory_space<vmem_shared>>) offsets(%arg8 : memref<128xi32, #tpu.memory_space<vmem>>) semaphore(%run_scoped3A : memref<!tpu.dma_semaphore, #tpu.memory_space<semaphore_mem>>) {add = true}
      %dma_wait3A_129 = arith.constant 0 : i32
      %dma_wait3A_130 = arith.constant 0 : i32
      %dma_wait3A_131 = tpu.memref_slice %arg18[%dma_wait3A_129, %dma_wait3A_130] : memref<10000x128xf32, #tpu.memory_space<vmem_shared>> -> memref<10000x128xf32, #tpu.memory_space<vmem_shared>>
      tpu.wait_indirect_dma semaphore(%run_scoped3A : memref<!tpu.dma_semaphore, #tpu.memory_space<semaphore_mem>>) src(%arg10 : memref<128x128xf32, #tpu.memory_space<vmem>>) dst(%dma_wait3A_131 : memref<10000x128xf32, #tpu.memory_space<vmem_shared>>)
      tpu.yield
    }) : () -> ()
    %dma_start3A_69 = arith.constant 0 : i32
    %dma_start3A_70 = tpu.memref_slice %arg4[%add3A, %dma_start3A_69] : memref<32x10112xi32, #tpu.memory_space<hbm>> -> memref<1x10112xi32, #tpu.memory_space<hbm>>
    %dma_start3A_71 = tpu.memref_squeeze %dma_start3A_70 : memref<1x10112xi32, #tpu.memory_space<hbm>> -> memref<10112xi32, #tpu.memory_space<hbm>>
    %dma_start3A_72 = arith.constant 9984 : i32
    %dma_start3A_73 = tpu.memref_slice %dma_start3A_71[%dma_start3A_72] : memref<10112xi32, #tpu.memory_space<hbm>> -> memref<128xi32, #tpu.memory_space<hbm>>
    %dma_start3A_74 = arith.constant 0 : i32
    %dma_start3A_75 = tpu.memref_slice %arg4[%add3A, %dma_start3A_74] : memref<32x10112xi32, #tpu.memory_space<hbm>> -> memref<1x10112xi32, #tpu.memory_space<hbm>>
    %dma_start3A_76 = tpu.memref_squeeze %dma_start3A_75 : memref<1x10112xi32, #tpu.memory_space<hbm>> -> memref<10112xi32, #tpu.memory_space<hbm>>
    %dma_start3A_77 = arith.constant 9984 : i32
    %dma_start3A_78 = tpu.memref_slice %dma_start3A_76[%dma_start3A_77] : memref<10112xi32, #tpu.memory_space<hbm>> -> memref<128xi32, #tpu.memory_space<hbm>>
    tpu.enqueue_dma source(%dma_start3A_78 : memref<128xi32, #tpu.memory_space<hbm>>) target(%arg8 : memref<128xi32, #tpu.memory_space<vmem>>) target_semaphore(%arg14 : memref<!tpu.dma_semaphore, #tpu.memory_space<semaphore_mem>>)
    %dma_start3A_79 = arith.constant 9984 : i32
    %dma_start3A_80 = tpu.memref_slice %arg7[%dma_start3A_79] : memref<10112xi32, #tpu.memory_space<vmem>> -> memref<128xi32, #tpu.memory_space<vmem>>
    %dma_start3A_81 = arith.constant 0 : i32
    %dma_start3A_82 = arith.constant 0 : i32
    %dma_start3A_83 = tpu.memref_slice %arg2[%dma_start3A_81, %dma_start3A_82] : memref<13584x128xf32, #tpu.memory_space<hbm>> -> memref<13584x128xf32, #tpu.memory_space<hbm>>
    tpu.enqueue_indirect_dma source(%dma_start3A_83 : memref<13584x128xf32, #tpu.memory_space<hbm>>) target(%arg10 : memref<128x128xf32, #tpu.memory_space<vmem>>) offsets(%dma_start3A_80 : memref<128xi32, #tpu.memory_space<vmem>>) semaphore(%arg12 : memref<!tpu.dma_semaphore, #tpu.memory_space<semaphore_mem>>)
    %dma_wait3A_84 = arith.constant 0 : i32
    %dma_wait3A_85 = arith.constant 0 : i32
    %dma_wait3A_86 = tpu.memref_slice %arg2[%dma_wait3A_84, %dma_wait3A_85] : memref<13584x128xf32, #tpu.memory_space<hbm>> -> memref<128x128xf32, #tpu.memory_space<hbm>>
    %dma_wait3A_87 = arith.constant 0 : i32
    %dma_wait3A_88 = arith.constant 0 : i32
    %dma_wait3A_89 = tpu.memref_slice %arg2[%dma_wait3A_87, %dma_wait3A_88] : memref<13584x128xf32, #tpu.memory_space<hbm>> -> memref<128x128xf32, #tpu.memory_space<hbm>>
    tpu.wait_dma2 semaphore(%arg13 : memref<!tpu.dma_semaphore, #tpu.memory_space<semaphore_mem>>) src(%dma_wait3A_89 : memref<128x128xf32, #tpu.memory_space<hbm>>) dst(%arg11 : memref<128x128xf32, #tpu.memory_space<vmem>>)
    %dma_wait3A_90 = arith.constant 0 : i32
    %dma_wait3A_91 = tpu.memref_slice %arg4[%add3A, %dma_wait3A_90] : memref<32x10112xi32, #tpu.memory_space<hbm>> -> memref<1x10112xi32, #tpu.memory_space<hbm>>
    %dma_wait3A_92 = tpu.memref_squeeze %dma_wait3A_91 : memref<1x10112xi32, #tpu.memory_space<hbm>> -> memref<10112xi32, #tpu.memory_space<hbm>>
    %dma_wait3A_93 = arith.constant 0 : i32
    %dma_wait3A_94 = tpu.memref_slice %dma_wait3A_92[%dma_wait3A_93] : memref<10112xi32, #tpu.memory_space<hbm>> -> memref<128xi32, #tpu.memory_space<hbm>>
    %dma_wait3A_95 = arith.constant 0 : i32
    %dma_wait3A_96 = tpu.memref_slice %arg4[%add3A, %dma_wait3A_95] : memref<32x10112xi32, #tpu.memory_space<hbm>> -> memref<1x10112xi32, #tpu.memory_space<hbm>>
    %dma_wait3A_97 = tpu.memref_squeeze %dma_wait3A_96 : memref<1x10112xi32, #tpu.memory_space<hbm>> -> memref<10112xi32, #tpu.memory_space<hbm>>
    %dma_wait3A_98 = arith.constant 0 : i32
    %dma_wait3A_99 = tpu.memref_slice %dma_wait3A_97[%dma_wait3A_98] : memref<10112xi32, #tpu.memory_space<hbm>> -> memref<128xi32, #tpu.memory_space<hbm>>
    tpu.wait_dma2 semaphore(%arg15 : memref<!tpu.dma_semaphore, #tpu.memory_space<semaphore_mem>>) src(%dma_wait3A_99 : memref<128xi32, #tpu.memory_space<hbm>>) dst(%arg9 : memref<128xi32, #tpu.memory_space<vmem>>)
    "tpu.region"() ({
      %run_scoped3A = tpu.sem_alloc : memref<!tpu.dma_semaphore, #tpu.memory_space<semaphore_mem>>
      %dma_start3A_126 = arith.constant 0 : i32
      %dma_start3A_127 = arith.constant 0 : i32
      %dma_start3A_128 = tpu.memref_slice %arg18[%dma_start3A_126, %dma_start3A_127] : memref<10000x128xf32, #tpu.memory_space<vmem_shared>> -> memref<10000x128xf32, #tpu.memory_space<vmem_shared>>
      tpu.enqueue_indirect_dma source(%arg11 : memref<128x128xf32, #tpu.memory_space<vmem>>) target(%dma_start3A_128 : memref<10000x128xf32, #tpu.memory_space<vmem_shared>>) offsets(%arg9 : memref<128xi32, #tpu.memory_space<vmem>>) semaphore(%run_scoped3A : memref<!tpu.dma_semaphore, #tpu.memory_space<semaphore_mem>>) {add = true}
      %dma_wait3A_129 = arith.constant 0 : i32
      %dma_wait3A_130 = arith.constant 0 : i32
      %dma_wait3A_131 = tpu.memref_slice %arg18[%dma_wait3A_129, %dma_wait3A_130] : memref<10000x128xf32, #tpu.memory_space<vmem_shared>> -> memref<10000x128xf32, #tpu.memory_space<vmem_shared>>
      tpu.wait_indirect_dma semaphore(%run_scoped3A : memref<!tpu.dma_semaphore, #tpu.memory_space<semaphore_mem>>) src(%arg11 : memref<128x128xf32, #tpu.memory_space<vmem>>) dst(%dma_wait3A_131 : memref<10000x128xf32, #tpu.memory_space<vmem_shared>>)
      tpu.yield
    }) : () -> ()
    %dma_wait3A_100 = arith.constant 0 : i32
    %dma_wait3A_101 = arith.constant 0 : i32
    %dma_wait3A_102 = tpu.memref_slice %arg2[%dma_wait3A_100, %dma_wait3A_101] : memref<13584x128xf32, #tpu.memory_space<hbm>> -> memref<128x128xf32, #tpu.memory_space<hbm>>
    %dma_wait3A_103 = arith.constant 0 : i32
    %dma_wait3A_104 = arith.constant 0 : i32
    %dma_wait3A_105 = tpu.memref_slice %arg2[%dma_wait3A_103, %dma_wait3A_104] : memref<13584x128xf32, #tpu.memory_space<hbm>> -> memref<128x128xf32, #tpu.memory_space<hbm>>
    tpu.wait_dma2 semaphore(%arg12 : memref<!tpu.dma_semaphore, #tpu.memory_space<semaphore_mem>>) src(%dma_wait3A_105 : memref<128x128xf32, #tpu.memory_space<hbm>>) dst(%arg10 : memref<128x128xf32, #tpu.memory_space<vmem>>)
    %dma_wait3A_106 = arith.constant 0 : i32
    %dma_wait3A_107 = tpu.memref_slice %arg4[%add3A, %dma_wait3A_106] : memref<32x10112xi32, #tpu.memory_space<hbm>> -> memref<1x10112xi32, #tpu.memory_space<hbm>>
    %dma_wait3A_108 = tpu.memref_squeeze %dma_wait3A_107 : memref<1x10112xi32, #tpu.memory_space<hbm>> -> memref<10112xi32, #tpu.memory_space<hbm>>
    %dma_wait3A_109 = arith.constant 0 : i32
    %dma_wait3A_110 = tpu.memref_slice %dma_wait3A_108[%dma_wait3A_109] : memref<10112xi32, #tpu.memory_space<hbm>> -> memref<128xi32, #tpu.memory_space<hbm>>
    %dma_wait3A_111 = arith.constant 0 : i32
    %dma_wait3A_112 = tpu.memref_slice %arg4[%add3A, %dma_wait3A_111] : memref<32x10112xi32, #tpu.memory_space<hbm>> -> memref<1x10112xi32, #tpu.memory_space<hbm>>
    %dma_wait3A_113 = tpu.memref_squeeze %dma_wait3A_112 : memref<1x10112xi32, #tpu.memory_space<hbm>> -> memref<10112xi32, #tpu.memory_space<hbm>>
    %dma_wait3A_114 = arith.constant 0 : i32
    %dma_wait3A_115 = tpu.memref_slice %dma_wait3A_113[%dma_wait3A_114] : memref<10112xi32, #tpu.memory_space<hbm>> -> memref<128xi32, #tpu.memory_space<hbm>>
    tpu.wait_dma2 semaphore(%arg14 : memref<!tpu.dma_semaphore, #tpu.memory_space<semaphore_mem>>) src(%dma_wait3A_115 : memref<128xi32, #tpu.memory_space<hbm>>) dst(%arg8 : memref<128xi32, #tpu.memory_space<vmem>>)
    "tpu.region"() ({
      %run_scoped3A = tpu.sem_alloc : memref<!tpu.dma_semaphore, #tpu.memory_space<semaphore_mem>>
      %dma_start3A_126 = arith.constant 0 : i32
      %dma_start3A_127 = arith.constant 0 : i32
      %dma_start3A_128 = tpu.memref_slice %arg18[%dma_start3A_126, %dma_start3A_127] : memref<10000x128xf32, #tpu.memory_space<vmem_shared>> -> memref<10000x128xf32, #tpu.memory_space<vmem_shared>>
      tpu.enqueue_indirect_dma source(%arg10 : memref<128x128xf32, #tpu.memory_space<vmem>>) target(%dma_start3A_128 : memref<10000x128xf32, #tpu.memory_space<vmem_shared>>) offsets(%arg8 : memref<128xi32, #tpu.memory_space<vmem>>) semaphore(%run_scoped3A : memref<!tpu.dma_semaphore, #tpu.memory_space<semaphore_mem>>) {add = true}
      %dma_wait3A_129 = arith.constant 0 : i32
      %dma_wait3A_130 = arith.constant 0 : i32
      %dma_wait3A_131 = tpu.memref_slice %arg18[%dma_wait3A_129, %dma_wait3A_130] : memref<10000x128xf32, #tpu.memory_space<vmem_shared>> -> memref<10000x128xf32, #tpu.memory_space<vmem_shared>>
      tpu.wait_indirect_dma semaphore(%run_scoped3A : memref<!tpu.dma_semaphore, #tpu.memory_space<semaphore_mem>>) src(%arg10 : memref<128x128xf32, #tpu.memory_space<vmem>>) dst(%dma_wait3A_131 : memref<10000x128xf32, #tpu.memory_space<vmem_shared>>)
      tpu.yield
    }) : () -> ()
    %barrier3A_116 = arith.constant 0 : index
    tpu.barrier barrier_id(%barrier3A_116)
    %mul3A_117 = arith.constant 624 : i32
    %mul3A_118 = arith.muli %arg1, %mul3A_117 : i32
    %mul3A_119 = arith.constant 624 : i32
    %mul3A_120 = arith.muli %arg1, %mul3A_119 : i32
    "tpu.region"() ({
      %run_scoped3A = tpu.sem_alloc : memref<!tpu.dma_semaphore, #tpu.memory_space<semaphore_mem>>
      %dma_start3A_126 = arith.constant 0 : i32
      %dma_start3A_127 = arith.constant 0 : i32
      %dma_start3A_128 = tpu.memref_slice %arg6[%arg0, %dma_start3A_126, %dma_start3A_127] : memref<2x10000x128xf32, #tpu.memory_space<hbm>> -> memref<1x10000x128xf32, #tpu.memory_space<hbm>>
      %dma_start3A_129 = tpu.memref_squeeze %dma_start3A_128 : memref<1x10000x128xf32, #tpu.memory_space<hbm>> -> memref<10000x128xf32, #tpu.memory_space<hbm>>
      %dma_start3A_130 = arith.constant 0 : i32
      %dma_start3A_131 = tpu.memref_slice %dma_start3A_129[%mul3A_120, %dma_start3A_130] : memref<10000x128xf32, #tpu.memory_space<hbm>> -> memref<624x128xf32, #tpu.memory_space<hbm>>
      %dma_start3A_132 = arith.constant 0 : i32
      %dma_start3A_133 = tpu.memref_slice %arg18[%mul3A_118, %dma_start3A_132] : memref<10000x128xf32, #tpu.memory_space<vmem_shared>> -> memref<624x128xf32, #tpu.memory_space<vmem_shared>>
      tpu.enqueue_dma source(%dma_start3A_133 : memref<624x128xf32, #tpu.memory_space<vmem_shared>>) target(%dma_start3A_131 : memref<624x128xf32, #tpu.memory_space<hbm>>) target_semaphore(%run_scoped3A : memref<!tpu.dma_semaphore, #tpu.memory_space<semaphore_mem>>)
      %dma_wait3A_134 = arith.constant 0 : i32
      %dma_wait3A_135 = arith.constant 0 : i32
      %dma_wait3A_136 = tpu.memref_slice %arg6[%arg0, %dma_wait3A_134, %dma_wait3A_135] : memref<2x10000x128xf32, #tpu.memory_space<hbm>> -> memref<1x10000x128xf32, #tpu.memory_space<hbm>>
      %dma_wait3A_137 = tpu.memref_squeeze %dma_wait3A_136 : memref<1x10000x128xf32, #tpu.memory_space<hbm>> -> memref<10000x128xf32, #tpu.memory_space<hbm>>
      %dma_wait3A_138 = arith.constant 0 : i32
      %dma_wait3A_139 = tpu.memref_slice %dma_wait3A_137[%mul3A_120, %dma_wait3A_138] : memref<10000x128xf32, #tpu.memory_space<hbm>> -> memref<624x128xf32, #tpu.memory_space<hbm>>
      %dma_wait3A_140 = arith.constant 0 : i32
      %dma_wait3A_141 = tpu.memref_slice %arg18[%mul3A_118, %dma_wait3A_140] : memref<10000x128xf32, #tpu.memory_space<vmem_shared>> -> memref<624x128xf32, #tpu.memory_space<vmem_shared>>
      tpu.wait_dma2 semaphore(%run_scoped3A : memref<!tpu.dma_semaphore, #tpu.memory_space<semaphore_mem>>) src(%dma_wait3A_141 : memref<624x128xf32, #tpu.memory_space<vmem_shared>>) dst(%dma_wait3A_139 : memref<624x128xf32, #tpu.memory_space<hbm>>)
      tpu.yield
    }) : () -> ()
    %eq3A_121 = arith.constant 15 : i32
    %eq3A_122 = arith.cmpi eq, %arg1, %eq3A_121 : i32
    %convert_element_type3A_123 = arith.extui %eq3A_122 : i1 to i32
    %cond3A_124 = arith.constant 0 : i32
    %cond3A_125 = arith.cmpi ne, %convert_element_type3A_123, %cond3A_124 : i32
    scf.if %cond3A_125 {
      "tpu.region"() ({
        %run_scoped3A = tpu.sem_alloc : memref<!tpu.dma_semaphore, #tpu.memory_space<semaphore_mem>>
        %dma_start3A_126 = arith.constant 0 : i32
        %dma_start3A_127 = arith.constant 0 : i32
        %dma_start3A_128 = tpu.memref_slice %arg6[%arg0, %dma_start3A_126, %dma_start3A_127] : memref<2x10000x128xf32, #tpu.memory_space<hbm>> -> memref<1x10000x128xf32, #tpu.memory_space<hbm>>
        %dma_start3A_129 = tpu.memref_squeeze %dma_start3A_128 : memref<1x10000x128xf32, #tpu.memory_space<hbm>> -> memref<10000x128xf32, #tpu.memory_space<hbm>>
        %dma_start3A_130 = arith.constant 9984 : i32
        %dma_start3A_131 = arith.constant 0 : i32
        %dma_start3A_132 = tpu.memref_slice %dma_start3A_129[%dma_start3A_130, %dma_start3A_131] : memref<10000x128xf32, #tpu.memory_space<hbm>> -> memref<16x128xf32, #tpu.memory_space<hbm>>
        %dma_start3A_133 = arith.constant 9984 : i32
        %dma_start3A_134 = arith.constant 0 : i32
        %dma_start3A_135 = tpu.memref_slice %arg18[%dma_start3A_133, %dma_start3A_134] : memref<10000x128xf32, #tpu.memory_space<vmem_shared>> -> memref<16x128xf32, #tpu.memory_space<vmem_shared>>
        tpu.enqueue_dma source(%dma_start3A_135 : memref<16x128xf32, #tpu.memory_space<vmem_shared>>) target(%dma_start3A_132 : memref<16x128xf32, #tpu.memory_space<hbm>>) target_semaphore(%run_scoped3A : memref<!tpu.dma_semaphore, #tpu.memory_space<semaphore_mem>>)
        %dma_wait3A_136 = arith.constant 0 : i32
        %dma_wait3A_137 = arith.constant 0 : i32
        %dma_wait3A_138 = tpu.memref_slice %arg6[%arg0, %dma_wait3A_136, %dma_wait3A_137] : memref<2x10000x128xf32, #tpu.memory_space<hbm>> -> memref<1x10000x128xf32, #tpu.memory_space<hbm>>
        %dma_wait3A_139 = tpu.memref_squeeze %dma_wait3A_138 : memref<1x10000x128xf32, #tpu.memory_space<hbm>> -> memref<10000x128xf32, #tpu.memory_space<hbm>>
        %dma_wait3A_140 = arith.constant 9984 : i32
        %dma_wait3A_141 = arith.constant 0 : i32
        %dma_wait3A_142 = tpu.memref_slice %dma_wait3A_139[%dma_wait3A_140, %dma_wait3A_141] : memref<10000x128xf32, #tpu.memory_space<hbm>> -> memref<16x128xf32, #tpu.memory_space<hbm>>
        %dma_wait3A_143 = arith.constant 9984 : i32
        %dma_wait3A_144 = arith.constant 0 : i32
        %dma_wait3A_145 = tpu.memref_slice %arg18[%dma_wait3A_143, %dma_wait3A_144] : memref<10000x128xf32, #tpu.memory_space<vmem_shared>> -> memref<16x128xf32, #tpu.memory_space<vmem_shared>>
        tpu.wait_dma2 semaphore(%run_scoped3A : memref<!tpu.dma_semaphore, #tpu.memory_space<semaphore_mem>>) src(%dma_wait3A_145 : memref<16x128xf32, #tpu.memory_space<vmem_shared>>) dst(%dma_wait3A_142 : memref<16x128xf32, #tpu.memory_space<hbm>>)
        tpu.yield
      }) : () -> ()
    } else {
    }
    return
  }
}

module attributes {stable_mosaic.version = 14 : i64} {
  func.func @_tc_body(%arg0: memref<10000x128xf32, #tpu.memory_space<vmem>>, %arg1: memref<2x10000x128xf32, #tpu.memory_space<vmem>>, %arg2: memref<10000x1xi32, #tpu.memory_space<vmem>>, %arg3: memref<128x128xf32, #tpu.memory_space<vmem>>, %arg4: memref<1x128xf32, #tpu.memory_space<vmem>>, %arg5: memref<128x128xf32, #tpu.memory_space<vmem>>, %arg6: memref<1x128xf32, #tpu.memory_space<vmem>>, %arg7: memref<1x1xf32, #tpu.memory_space<vmem>>, %arg8: memref<1x1xf32, #tpu.memory_space<vmem>>, %arg9: memref<1x1xf32, #tpu.memory_space<vmem>>, %arg10: memref<1x1xf32, #tpu.memory_space<vmem>>, %arg11: memref<10000x128xf32, #tpu.memory_space<vmem>>, %arg12: memref<64x128xf32, #tpu.memory_space<vmem>>) attributes {dimension_semantics = [], scalar_prefetch = 0 : i64, scratch_operands = 0 : i64, tpu.core_type = #tpu.core_type<tc>} {
    %get3A = arith.constant 0 : index
    %get3A_0 = arith.constant 0 : index
    %get3A_1 = vector.load %arg0[%get3A, %get3A_0] : memref<10000x128xf32, #tpu.memory_space<vmem>>, vector<10000x128xf32>
    %iota3A = tpu.iota {dimensions = array<i32: 1>} : vector<10000x64xi32>
    %get3A_2 = arith.constant 0 : index
    %get3A_3 = arith.constant 0 : index
    %get3A_4 = vector.load %arg2[%get3A_2, %get3A_3] : memref<10000x1xi32, #tpu.memory_space<vmem>>, vector<10000x1xi32>
    %eq3A = vector.broadcast %get3A_4 : vector<10000x1xi32> to vector<10000x64xi32>
    %eq3A_5 = arith.cmpi eq, %eq3A, %iota3A : vector<10000x64xi32>
    %convert_element_type3A = arith.extui %eq3A_5 : vector<10000x64xi1> to vector<10000x64xi32>
    %convert_element_type3A_6 = arith.sitofp %convert_element_type3A : vector<10000x64xi32> to vector<10000x64xf32>
    %broadcast_in_dim3A = arith.constant 1.000000e+00 : f32
    %broadcast_in_dim3A_7 = vector.broadcast %broadcast_in_dim3A : f32 to vector<10000x1xf32>
    %dot_general3A = arith.constant dense<0.000000e+00> : vector<64x1xf32>
    %dot_general3A_8 = tpu.matmul %convert_element_type3A_6, %broadcast_in_dim3A_7, %dot_general3A {dimension_numbers = #tpu.dot_dimension_numbers<[0], [0], [1], [1], [0, 1, 1, 1], [], []>, transpose_lhs_hint = false} : vector<10000x64xf32>, vector<10000x1xf32>, vector<64x1xf32> -> vector<64x1xf32>
    %max3A = arith.constant 1.000000e+00 : f32
    %max3A_9 = vector.broadcast %max3A : f32 to vector<64x1xf32>
    %max3A_10 = arith.maximumf %dot_general3A_8, %max3A_9 : vector<64x1xf32>
    %mul3A = arith.constant 1.280000e+02 : f32
    %mul3A_11 = vector.broadcast %mul3A : f32 to vector<64x1xf32>
    %mul3A_12 = arith.mulf %max3A_10, %mul3A_11 : vector<64x1xf32>
    %div3A = arith.constant 1.000000e+00 : f32
    %div3A_13 = vector.broadcast %div3A : f32 to vector<64x1xf32>
    %div3A_14 = arith.divf %div3A_13, %mul3A_12 : vector<64x1xf32>
    %mul3A_15 = arith.constant 2.000000e+00 : f32
    %mul3A_16 = vector.broadcast %mul3A_15 : f32 to vector<10000x128xf32>
    %mul3A_17 = arith.mulf %mul3A_16, %get3A_1 : vector<10000x128xf32>
    %get3A_18 = arith.constant 0 : index
    %get3A_19 = arith.constant 0 : index
    %get3A_20 = arith.constant 0 : index
    %get3A_21 = vector.load %arg1[%get3A_18, %get3A_19, %get3A_20] : memref<2x10000x128xf32, #tpu.memory_space<vmem>>, vector<1x10000x128xf32>
    %get3A_22 = vector.shape_cast %get3A_21 : vector<1x10000x128xf32> to vector<10000x128xf32>
    %add3A = arith.addf %mul3A_17, %get3A_22 : vector<10000x128xf32>
    %get3A_23 = arith.constant 1 : index
    %get3A_24 = arith.constant 0 : index
    %get3A_25 = arith.constant 0 : index
    %get3A_26 = vector.load %arg1[%get3A_23, %get3A_24, %get3A_25] : memref<2x10000x128xf32, #tpu.memory_space<vmem>>, vector<1x10000x128xf32>
    %get3A_27 = vector.shape_cast %get3A_26 : vector<1x10000x128xf32> to vector<10000x128xf32>
    %add3A_28 = arith.addf %add3A, %get3A_27 : vector<10000x128xf32>
    %get3A_29 = arith.constant 0 : index
    %get3A_30 = arith.constant 0 : index
    %get3A_31 = vector.load %arg3[%get3A_29, %get3A_30] : memref<128x128xf32, #tpu.memory_space<vmem>>, vector<128x128xf32>
    %dot_general3A_32 = arith.constant dense<0.000000e+00> : vector<10000x128xf32>
    %dot_general3A_33 = tpu.matmul %add3A_28, %get3A_31, %dot_general3A_32 {dimension_numbers = #tpu.dot_dimension_numbers<[1], [0], [0], [1], [0, 0, 1, 1], [], []>, transpose_lhs_hint = false} : vector<10000x128xf32>, vector<128x128xf32>, vector<10000x128xf32> -> vector<10000x128xf32>
    %get3A_34 = arith.constant 0 : index
    %get3A_35 = arith.constant 0 : index
    %get3A_36 = vector.load %arg4[%get3A_34, %get3A_35] : memref<1x128xf32, #tpu.memory_space<vmem>>, vector<1x128xf32>
    %add3A_37 = vector.broadcast %get3A_36 : vector<1x128xf32> to vector<10000x128xf32>
    %add3A_38 = arith.addf %dot_general3A_33, %add3A_37 : vector<10000x128xf32>
    %get3A_39 = arith.constant 0 : index
    %get3A_40 = arith.constant 0 : index
    %get3A_41 = vector.load %arg7[%get3A_39, %get3A_40] : memref<1x1xf32, #tpu.memory_space<vmem>>, vector<1x1xf32>
    %get3A_42 = vector.extract %get3A_41[0, 0] : f32 from vector<1x1xf32>
    %get3A_43 = arith.constant 0 : index
    %get3A_44 = arith.constant 0 : index
    %get3A_45 = vector.load %arg8[%get3A_43, %get3A_44] : memref<1x1xf32, #tpu.memory_space<vmem>>, vector<1x1xf32>
    %get3A_46 = vector.extract %get3A_45[0, 0] : f32 from vector<1x1xf32>
    %reduce_sum3A = arith.constant dense<0.000000e+00> : vector<10000xf32>
    %reduce_sum3A_47 = vector.multi_reduction <add>, %add3A_38, %reduce_sum3A [1] : vector<10000x128xf32> to vector<10000xf32>
    %broadcast_in_dim3A_48 = vector.shape_cast %reduce_sum3A_47 : vector<10000xf32> to vector<10000x1xf32>
    %dot_general3A_49 = arith.constant dense<0.000000e+00> : vector<64x1xf32>
    %dot_general3A_50 = tpu.matmul %convert_element_type3A_6, %broadcast_in_dim3A_48, %dot_general3A_49 {dimension_numbers = #tpu.dot_dimension_numbers<[0], [0], [1], [1], [0, 1, 1, 1], [], []>, transpose_lhs_hint = false} : vector<10000x64xf32>, vector<10000x1xf32>, vector<64x1xf32> -> vector<64x1xf32>
    %mul3A_51 = arith.mulf %dot_general3A_50, %div3A_14 : vector<64x1xf32>
    %dot_general3A_52 = arith.constant dense<0.000000e+00> : vector<10000x1xf32>
    %dot_general3A_53 = tpu.matmul %convert_element_type3A_6, %mul3A_51, %dot_general3A_52 {dimension_numbers = #tpu.dot_dimension_numbers<[1], [0], [0], [1], [0, 0, 1, 1], [], []>, transpose_lhs_hint = false} : vector<10000x64xf32>, vector<64x1xf32>, vector<10000x1xf32> -> vector<10000x1xf32>
    %sub3A = vector.broadcast %dot_general3A_53 : vector<10000x1xf32> to vector<10000x128xf32>
    %sub3A_54 = arith.subf %add3A_38, %sub3A : vector<10000x128xf32>
    %mul3A_55 = arith.mulf %sub3A_54, %sub3A_54 : vector<10000x128xf32>
    %reduce_sum3A_56 = arith.constant dense<0.000000e+00> : vector<10000xf32>
    %reduce_sum3A_57 = vector.multi_reduction <add>, %mul3A_55, %reduce_sum3A_56 [1] : vector<10000x128xf32> to vector<10000xf32>
    %broadcast_in_dim3A_58 = vector.shape_cast %reduce_sum3A_57 : vector<10000xf32> to vector<10000x1xf32>
    %dot_general3A_59 = arith.constant dense<0.000000e+00> : vector<64x1xf32>
    %dot_general3A_60 = tpu.matmul %convert_element_type3A_6, %broadcast_in_dim3A_58, %dot_general3A_59 {dimension_numbers = #tpu.dot_dimension_numbers<[0], [0], [1], [1], [0, 1, 1, 1], [], []>, transpose_lhs_hint = false} : vector<10000x64xf32>, vector<10000x1xf32>, vector<64x1xf32> -> vector<64x1xf32>
    %mul3A_61 = arith.mulf %dot_general3A_60, %div3A_14 : vector<64x1xf32>
    %add3A_62 = arith.constant 9.99999974E-6 : f32
    %add3A_63 = vector.broadcast %add3A_62 : f32 to vector<64x1xf32>
    %add3A_64 = arith.addf %mul3A_61, %add3A_63 : vector<64x1xf32>
    %rsqrt3A = math.rsqrt %add3A_64 : vector<64x1xf32>
    %dot_general3A_65 = arith.constant dense<0.000000e+00> : vector<10000x1xf32>
    %dot_general3A_66 = tpu.matmul %convert_element_type3A_6, %rsqrt3A, %dot_general3A_65 {dimension_numbers = #tpu.dot_dimension_numbers<[1], [0], [0], [1], [0, 0, 1, 1], [], []>, transpose_lhs_hint = false} : vector<10000x64xf32>, vector<64x1xf32>, vector<10000x1xf32> -> vector<10000x1xf32>
    %mul3A_67 = vector.broadcast %dot_general3A_66 : vector<10000x1xf32> to vector<10000x128xf32>
    %mul3A_68 = arith.mulf %sub3A_54, %mul3A_67 : vector<10000x128xf32>
    %mul3A_69 = vector.broadcast %get3A_42 : f32 to vector<10000x128xf32>
    %mul3A_70 = arith.mulf %mul3A_68, %mul3A_69 : vector<10000x128xf32>
    %add3A_71 = vector.broadcast %get3A_46 : f32 to vector<10000x128xf32>
    %add3A_72 = arith.addf %mul3A_70, %add3A_71 : vector<10000x128xf32>
    %max3A_73 = arith.constant 0.000000e+00 : f32
    %max3A_74 = vector.broadcast %max3A_73 : f32 to vector<10000x128xf32>
    %max3A_75 = arith.maximumf %add3A_72, %max3A_74 : vector<10000x128xf32>
    %add3A_76 = arith.addf %get3A_1, %max3A_75 : vector<10000x128xf32>
    %get3A_77 = arith.constant 0 : index
    %get3A_78 = arith.constant 0 : index
    %get3A_79 = vector.load %arg5[%get3A_77, %get3A_78] : memref<128x128xf32, #tpu.memory_space<vmem>>, vector<128x128xf32>
    %dot_general3A_80 = arith.constant dense<0.000000e+00> : vector<10000x128xf32>
    %dot_general3A_81 = tpu.matmul %add3A_76, %get3A_79, %dot_general3A_80 {dimension_numbers = #tpu.dot_dimension_numbers<[1], [0], [0], [1], [0, 0, 1, 1], [], []>, transpose_lhs_hint = false} : vector<10000x128xf32>, vector<128x128xf32>, vector<10000x128xf32> -> vector<10000x128xf32>
    %get3A_82 = arith.constant 0 : index
    %get3A_83 = arith.constant 0 : index
    %get3A_84 = vector.load %arg6[%get3A_82, %get3A_83] : memref<1x128xf32, #tpu.memory_space<vmem>>, vector<1x128xf32>
    %add3A_85 = vector.broadcast %get3A_84 : vector<1x128xf32> to vector<10000x128xf32>
    %add3A_86 = arith.addf %dot_general3A_81, %add3A_85 : vector<10000x128xf32>
    %get3A_87 = arith.constant 0 : index
    %get3A_88 = arith.constant 0 : index
    %get3A_89 = vector.load %arg9[%get3A_87, %get3A_88] : memref<1x1xf32, #tpu.memory_space<vmem>>, vector<1x1xf32>
    %get3A_90 = vector.extract %get3A_89[0, 0] : f32 from vector<1x1xf32>
    %get3A_91 = arith.constant 0 : index
    %get3A_92 = arith.constant 0 : index
    %get3A_93 = vector.load %arg10[%get3A_91, %get3A_92] : memref<1x1xf32, #tpu.memory_space<vmem>>, vector<1x1xf32>
    %get3A_94 = vector.extract %get3A_93[0, 0] : f32 from vector<1x1xf32>
    %reduce_sum3A_95 = arith.constant dense<0.000000e+00> : vector<10000xf32>
    %reduce_sum3A_96 = vector.multi_reduction <add>, %add3A_86, %reduce_sum3A_95 [1] : vector<10000x128xf32> to vector<10000xf32>
    %broadcast_in_dim3A_97 = vector.shape_cast %reduce_sum3A_96 : vector<10000xf32> to vector<10000x1xf32>
    %dot_general3A_98 = arith.constant dense<0.000000e+00> : vector<64x1xf32>
    %dot_general3A_99 = tpu.matmul %convert_element_type3A_6, %broadcast_in_dim3A_97, %dot_general3A_98 {dimension_numbers = #tpu.dot_dimension_numbers<[0], [0], [1], [1], [0, 1, 1, 1], [], []>, transpose_lhs_hint = false} : vector<10000x64xf32>, vector<10000x1xf32>, vector<64x1xf32> -> vector<64x1xf32>
    %mul3A_100 = arith.mulf %dot_general3A_99, %div3A_14 : vector<64x1xf32>
    %dot_general3A_101 = arith.constant dense<0.000000e+00> : vector<10000x1xf32>
    %dot_general3A_102 = tpu.matmul %convert_element_type3A_6, %mul3A_100, %dot_general3A_101 {dimension_numbers = #tpu.dot_dimension_numbers<[1], [0], [0], [1], [0, 0, 1, 1], [], []>, transpose_lhs_hint = false} : vector<10000x64xf32>, vector<64x1xf32>, vector<10000x1xf32> -> vector<10000x1xf32>
    %sub3A_103 = vector.broadcast %dot_general3A_102 : vector<10000x1xf32> to vector<10000x128xf32>
    %sub3A_104 = arith.subf %add3A_86, %sub3A_103 : vector<10000x128xf32>
    %mul3A_105 = arith.mulf %sub3A_104, %sub3A_104 : vector<10000x128xf32>
    %reduce_sum3A_106 = arith.constant dense<0.000000e+00> : vector<10000xf32>
    %reduce_sum3A_107 = vector.multi_reduction <add>, %mul3A_105, %reduce_sum3A_106 [1] : vector<10000x128xf32> to vector<10000xf32>
    %broadcast_in_dim3A_108 = vector.shape_cast %reduce_sum3A_107 : vector<10000xf32> to vector<10000x1xf32>
    %dot_general3A_109 = arith.constant dense<0.000000e+00> : vector<64x1xf32>
    %dot_general3A_110 = tpu.matmul %convert_element_type3A_6, %broadcast_in_dim3A_108, %dot_general3A_109 {dimension_numbers = #tpu.dot_dimension_numbers<[0], [0], [1], [1], [0, 1, 1, 1], [], []>, transpose_lhs_hint = false} : vector<10000x64xf32>, vector<10000x1xf32>, vector<64x1xf32> -> vector<64x1xf32>
    %mul3A_111 = arith.mulf %dot_general3A_110, %div3A_14 : vector<64x1xf32>
    %add3A_112 = arith.constant 9.99999974E-6 : f32
    %add3A_113 = vector.broadcast %add3A_112 : f32 to vector<64x1xf32>
    %add3A_114 = arith.addf %mul3A_111, %add3A_113 : vector<64x1xf32>
    %rsqrt3A_115 = math.rsqrt %add3A_114 : vector<64x1xf32>
    %dot_general3A_116 = arith.constant dense<0.000000e+00> : vector<10000x1xf32>
    %dot_general3A_117 = tpu.matmul %convert_element_type3A_6, %rsqrt3A_115, %dot_general3A_116 {dimension_numbers = #tpu.dot_dimension_numbers<[1], [0], [0], [1], [0, 0, 1, 1], [], []>, transpose_lhs_hint = false} : vector<10000x64xf32>, vector<64x1xf32>, vector<10000x1xf32> -> vector<10000x1xf32>
    %mul3A_118 = vector.broadcast %dot_general3A_117 : vector<10000x1xf32> to vector<10000x128xf32>
    %mul3A_119 = arith.mulf %sub3A_104, %mul3A_118 : vector<10000x128xf32>
    %mul3A_120 = vector.broadcast %get3A_90 : f32 to vector<10000x128xf32>
    %mul3A_121 = arith.mulf %mul3A_119, %mul3A_120 : vector<10000x128xf32>
    %add3A_122 = vector.broadcast %get3A_94 : f32 to vector<10000x128xf32>
    %add3A_123 = arith.addf %mul3A_121, %add3A_122 : vector<10000x128xf32>
    %max3A_124 = arith.constant 0.000000e+00 : f32
    %max3A_125 = vector.broadcast %max3A_124 : f32 to vector<10000x128xf32>
    %max3A_126 = arith.maximumf %add3A_123, %max3A_125 : vector<10000x128xf32>
    %swap3A = arith.constant 0 : index
    %swap3A_127 = arith.constant 0 : index
    %swap3A_128 = vector.load %arg11[%swap3A, %swap3A_127] : memref<10000x128xf32, #tpu.memory_space<vmem>>, vector<10000x128xf32>
    tpu.vector_store %arg11[%swap3A, %swap3A_127], %max3A_126 {strides = array<i32>} : memref<10000x128xf32, #tpu.memory_space<vmem>>, vector<10000x128xf32>,
    %dot_general3A_129 = arith.constant dense<0.000000e+00> : vector<64x128xf32>
    %dot_general3A_130 = tpu.matmul %convert_element_type3A_6, %max3A_126, %dot_general3A_129 {dimension_numbers = #tpu.dot_dimension_numbers<[0], [0], [1], [1], [0, 1, 1, 1], [], []>, transpose_lhs_hint = false} : vector<10000x64xf32>, vector<10000x128xf32>, vector<64x128xf32> -> vector<64x128xf32>
    %div3A_131 = vector.broadcast %max3A_10 : vector<64x1xf32> to vector<64x128xf32>
    %div3A_132 = arith.divf %dot_general3A_130, %div3A_131 : vector<64x128xf32>
    %swap3A_133 = arith.constant 0 : index
    %swap3A_134 = arith.constant 0 : index
    %swap3A_135 = vector.load %arg12[%swap3A_133, %swap3A_134] : memref<64x128xf32, #tpu.memory_space<vmem>>, vector<64x128xf32>
    tpu.vector_store %arg12[%swap3A_133, %swap3A_134], %div3A_132 {strides = array<i32>} : memref<64x128xf32, #tpu.memory_space<vmem>>, vector<64x128xf32>,
    return
  }
}

</mosaic_0001>

<sc_bundles>
// kernel: kernel.4.cloned.1.call-start
scs
__scs_entry_jumppad:
0x0: {  	(pc) =	sbr.rel $0x88, $3  }
0x1: {  	(tag) =	ssettag $0x0;
	lr =	simm.s32 $0x1  }
0x2: {  	[smem:$0x3F96] =	sst lr;
	_ =	strace $0xD0000000  }
0x3: {  	_ = 	snop  }
0x4: {  	_ = 	snop  }
0x5: {  	_ = 	snop  }
0x6: {  	_ = 	snop  }
0x7: {  	_ = 	snop  }
__scs_overlays_trampoline_lowered:
0x8: {  	[smem:$0x3FA5] =	sst s0  }
0x9: {  	[smem:$0x3FA6] =	sst s1  }
0xa: {  	[smem:$0x3FA7] =	sst s2  }
0xb: {  	[smem:$0x3FA8] =	sst s3  }
0xc: {  	[smem:$0x3FA9] =	sst s4  }
0xd: {  	[smem:$0x3FAA] =	sst s5  }
0xe: {  	[smem:$0x3FAB] =	sst s6  }
0xf: {  	[smem:$0x3FAC] =	sst s7  }
0x10: {  	[smem:$0x3FAD] =	sst s8  }
0x11: {  	[smem:$0x3FAE] =	sst s9;
	s0 =	simm.s32 @!p0 $0x0  }
0x12: {  	s1 =	sld [smem:$0x3F94];
	s0 =	simm.s32 @p0 $0x1  }
0x13: {  	[smem:$0x3FAF] =	sst s0;
	s0 =	simm.s32 @!p1 $0x0  }
0x14: {  	s2 =	sld [smem:$0x3F93];
	s0 =	simm.s32 @p1 $0x1  }
0x15: {  	[smem:$0x3FB0] =	sst s0;
	s0 =	simm.s32 @!p2 $0x0  }
0x16: {  	s3 =	sld [smem:$0x3FDB];
	s0 =	simm.s32 @p2 $0x1  }
0x17: {  	s4 =	simm.s32 $0x1BF5;
	[smem:$0x3FB2] =	sst s0  }
0x18: {  	s0 =	sld [smem:$0x3F95];
	_ =	swait.ge [sflag:s4], $0x0  }
0x19: {  	s7 =	sld [smem:$0x3F96]  }
0x1a: {  	s8 =	sadd.s32 $0xFFFFE003, lr  }
0x1b: {  	s9 =	sadd.s32 $0xFFFFFEF7, lr;
	s5 =	simm.s32 $0xFFFFFFFF;
	p2 =	slt.u32 s8, $0xFFFFF086  }
0x1c: {  	p1 =	slt.u32 s9, $0xF7A;
	s5 =	simm.s32 @!p2 $0x0  }
0x1d: {  	s5 =	simm.s32 @p1 $0x1;
	p0 =	seq.s32 s7, s2  }
0x1e: {  	s7 =	smul.u32 @!p0 $0xF7A, s2;
	p2 =	seq.s32 @!p0 s5, $0x0  }
0x1f: {  	s9 =	smul.u32 $0xF7A, s1;
	s8 =	simm.s32 @!p0 $0x1BF5;
	p2 =	por !p2, p0  }
0x20: {  	[sflag:s8] =	ssyncset.s32 @!p0 $0xFFFFF086;
	s6 =	sadd.s32 @!p0 s3, s7;
	s7 =	simm.s32 @!p0 $0x108  }
0x21: {  	s3 =	sadd.s32 s3, s9;
	s6 =	sadd.s32 @!p0 $0x88, s6;
	s7 =	simm.s32 @p2 $0x1082  }
0x22: {  	[simem:s7], [sflag:s8] =	dma.local @!p0 [hbm:s6], $0xF7A  }
0x23: {  	s9 =	sor.u32 $0xD0000000, s2;
	s6 =	simm.s32 $0x108;
	_ =	swait.ge @!p0 [sflag:s8], $0x0  }
0x24: {  	s3 =	sadd.s32 $0x88, s3;
	s6 =	simm.s32 @!p1 $0x1082;
	[sflag:s4] =	ssyncset.s32 $0xFFFFF086  }
0x25: {  	[simem:s6], [sflag:s4] =	dma.local [hbm:s3], $0xF7A  }
0x26: {  	[smem:$0x3F96] =	sst s1;
	(tag) =	ssettag s2;
	_ =	strace s9  }
0x27: {  	s1 =	sld [smem:$0x3FA6]  }
0x28: {  	s2 =	sld [smem:$0x3FA7]  }
0x29: {  	s4 =	sld [smem:$0x3FA9]  }
0x2a: {  	p0 =	seq.s32 s5, $0x0;
	s5 =	sld [smem:$0x3FAA]  }
0x2b: {  	s6 =	sld [smem:$0x3FAB]  }
0x2c: {  	s7 =	sld [smem:$0x3FAC]  }
0x2d: {  	s3 =	simm.s32 $0x108;
	s8 =	sld [smem:$0x3FAD]  }
0x2e: {  	s3 =	simm.s32 @!p0 $0x1082;
	s9 =	sld [smem:$0x3FAE]  }
0x2f: {  	lr =	sadd.s32 s0, s3;
	s0 =	sld [smem:$0x3FA5]  }
0x30: {  	s3 =	sld [smem:$0x3FA8]  }
0x31: {  	[smem:$0x3FB1] =	sst s10  }
0x32: {  	s10 =	sld [smem:$0x3FAF];
	_ =	sdelay $0x3  }
0x33: {  	p0 =	seq.s32 s10, $0x1;
	s10 =	sld [smem:$0x3FB1];
	_ =	sdelay $0x3  }
0x34: {  	[smem:$0x3FB1] =	sst s10  }
0x35: {  	s10 =	sld [smem:$0x3FB0];
	_ =	sdelay $0x3  }
0x36: {  	p1 =	seq.s32 s10, $0x1;
	s10 =	sld [smem:$0x3FB1];
	_ =	sdelay $0x3  }
0x37: {  	[smem:$0x3FB1] =	sst s10  }
0x38: {  	s10 =	sld [smem:$0x3FB2]  }
0x39: {  	_ = 	snop;
	(pc) =	sbr.ind lr, $3  }
0x3a: {  	_ = 	snop  }
0x3b: {  	_ = 	snop  }
0x3c: {  	p2 =	seq.s32 s10, $0x1;
	s10 =	sld [smem:$0x3FB1]  }
0x3d: {  	_ =	shalt  }
0x3e: {  	_ =	shalt  }
0x3f: {  	_ =	shalt  }
0x40: {  	_ =	shalt  }
0x41: {  	_ =	shalt  }
0x42: {  	_ =	shalt  }
0x43: {  	_ =	shalt  }
0x44: {  	_ =	shalt  }
0x45: {  	_ =	shalt  }
0x46: {  	_ =	shalt  }
0x47: {  	_ =	shalt  }
0x48: {  	_ =	shalt  }
0x49: {  	_ =	shalt  }
0x4a: {  	_ =	shalt  }
0x4b: {  	_ =	shalt  }
0x4c: {  	_ =	shalt  }
0x4d: {  	_ =	shalt  }
0x4e: {  	_ =	shalt  }
0x4f: {  	_ =	shalt  }
0x50: {  	_ =	shalt  }
0x51: {  	_ =	shalt  }
0x52: {  	_ =	shalt  }
0x53: {  	_ =	shalt  }
0x54: {  	_ =	shalt  }
0x55: {  	_ =	shalt  }
0x56: {  	_ =	shalt  }
0x57: {  	_ =	shalt  }
0x58: {  	_ =	shalt  }
0x59: {  	_ =	shalt  }
0x5a: {  	_ =	shalt  }
0x5b: {  	_ =	shalt  }
0x5c: {  	_ =	shalt  }
0x5d: {  	_ =	shalt  }
0x5e: {  	_ =	shalt  }
0x5f: {  	_ =	shalt  }
0x60: {  	_ =	shalt  }
0x61: {  	_ =	shalt  }
0x62: {  	_ =	shalt  }
0x63: {  	_ =	shalt  }
0x64: {  	_ =	shalt  }
0x65: {  	_ =	shalt  }
0x66: {  	_ =	shalt  }
0x67: {  	_ =	shalt  }
0x68: {  	_ =	shalt  }
0x69: {  	_ =	shalt  }
0x6a: {  	_ =	shalt  }
0x6b: {  	_ =	shalt  }
0x6c: {  	_ =	shalt  }
0x6d: {  	_ =	shalt  }
0x6e: {  	_ =	shalt  }
0x6f: {  	_ =	shalt  }
0x70: {  	_ =	shalt  }
0x71: {  	_ =	shalt  }
0x72: {  	_ =	shalt  }
0x73: {  	_ =	shalt  }
0x74: {  	_ =	shalt  }
0x75: {  	_ =	shalt  }
0x76: {  	_ =	shalt  }
0x77: {  	_ =	shalt  }
0x78: {  	_ =	shalt  }
0x79: {  	_ =	shalt  }
0x7a: {  	_ =	shalt  }
0x7b: {  	_ =	shalt  }
0x7c: {  	_ =	shalt  }
0x7d: {  	_ =	shalt  }
0x7e: {  	_ =	shalt  }
0x7f: {  	_ =	shalt  }
0x80: {  	_ =	shalt  }
0x81: {  	_ =	shalt  }
0x82: {  	_ =	shalt  }
0x83: {  	_ =	shalt  }
0x84: {  	_ =	shalt  }
0x85: {  	_ =	shalt  }
0x86: {  	_ =	shalt  }
0x87: {  	_ =	shalt  }
.Lfunc_end0:
.L_simem_size_0:
called_computation_lowered:
.L_overlay_start_0:
0x88: {  	s2 =	sld [smem:$0x3FD9]  }
0x89: {  	s3 =	sld [smem:$0x3FFE];
	_ =	sdelay $0x1  }
0x8a: {  	s1 =	srdreg.scid  }
0x8b: {  	s0 =	sand.u32 $0x1, s1  }
0x8c: {  	s14 =	sshll.u32 s0, $0xA;
	s2 =	sadd.s32 s3, s2  }
0x8d: {  	s2 =	sadd.s32 s2, s14  }
0x8e: {  	[smem:$0x3FBD] =	sst s2  }
0x8f: {  	_ = 	snop  }
0x90: {  	s2 =	sld [smem:$0x3FD0];
	_ =	sdelay $0x2  }
0x91: {  	s15 =	simm.s32 $0xA;
	s4 =	simm.s32 $0x10  }
0x92: {  	[smem:s4], [sflag:s15] =	dma.local [hbm:s2], $0x1  }
0x93: {  	_ =	swait.eq [sflag:s15], $0x1  }
0x94: {  	[sflag:s15] =	ssyncset.done $0x0  }
0x95: {  	[sflag:s15] =	ssyncadd.s32 $0xFFFFFFFF  }
0x96: {  	s16 =	sld [smem:$0x10];
	(tm) =	ssettm $0x1  }
0x97: {  	s17 =	sld [smem:$0x3FFB];
	_ =	sdelay $0x3  }
0x98: {  	_ =	strace s17  }
0x99: {  	s3 =	sld [smem:$0x3FFC];
	_ =	sdelay $0x3  }
0x9a: {  	_ =	strace s3  }
0x9b: {  	s3 =	sld [smem:$0x3FFD];
	_ =	sdelay $0x3  }
0x9c: {  	_ =	strace s3  }
0x9d: {  	_ =	strace $0x8FFFFFFF  }
0x9e: {  	s18 =	sld [smem:$0x3FDB];
	_ =	sdelay $0x1  }
0x9f: {  	s19 =	simm.s32 $_scs_section_size  }
0xa0: {  	s5 =	simm.s32 $_size__tile_overlayer_lowered;
	s6 =	simm.s32 $_tile_overlayer_lowered  }
0xa1: {  	s22 =	simm.s32 $0x1BFF;
	s21 =	sshll.u32 s6, $0x1;
	s3 =	sadd.s32 s19, s18  }
0xa2: {  	s7 =	simm.s32 $0x0;
	s20 =	sshll.u32 s5, $0x1;
	s5 =	sadd.s32 s21, s3  }
0xa3: {  	[timem:s7], [sflag:s22] =	dma.local [hbm:s5], s20  }
0xa4: {  	_ =	swait.ge [sflag:s22], s20  }
0xa5: {  	s4 =	ssub.s32 $0x0, s20;
	[sflag:s22] =	ssyncset.done $0x0  }
0xa6: {  	[sflag:s22] =	ssyncadd.s32 s4;
	_ =	sdelay $0x1  }
0xa7: {  	s23 =	simm.s32 $0x1B8B  }
0xa8: {  	_ =	swait.ge [sflag:s23], $0x1  }
0xa9: {  	[sflag:s23] =	ssyncset.done $0x0  }
0xaa: {  	s25 =	simm.s32 $0x1B8E;
	s24 =	sld [smem:$0x3FFE];
	[sflag:s23] =	ssyncadd.s32 $0xFFFFFFFF  }
0xab: {  	s26 =	simm.s32 $execute0_lowered;
	[smem:$0x3FD2] =	sst s25  }
0xac: {  	s5 =	sshll.u32 s26, $0x1;
	_ =	strace $0x80000046;
	[dreg:$0x1] =	wrdreg $0xFFFFFFFF  }
0xad: {  	s28 =	simm.s32 $_size_execute0_lowered;
	s3 =	sadd.s32 s3, s5;
	[dreg:$0x0] =	wrdreg $0x0  }
0xae: {  	s5 =	sshll.u32 s28, $0x1;
	[dreg:$0x2] =	wrdreg s3  }
0xaf: {  	[dreg:$0x3] =	wrdreg s5  }
0xb0: {  	[dreg:$0x4] =	wrdreg $0xC0  }
0xb1: {  	_ =	task [dreg:s7], $0x5FFFF  }
0xb2: {  	[dreg:$0x1] =	wrdreg $0xFFFFFFFF  }
0xb3: {  	[dreg:$0x0] =	wrdreg $0x60  }
0xb4: {  	[dreg:$0x2] =	wrdreg s24  }
0xb5: {  	[dreg:$0x3] =	wrdreg s16  }
0xb6: {  	[dreg:$0x4] =	wrdreg $0xA8800  }
0xb7: {  	[dreg:$0x5] =	wrdreg $0x9  }
0xb8: {  	_ =	task.clear_ibuf [dreg:s7], $0x6FFFF;
	_ =	strace $0x90000046  }
0xb9: {  	s29 =	simm.s32 $0x9;
	_ =	strace $0x80000048  }
0xba: {  	_ =	swait.ge [sflag:s29], $0x1  }
0xbb: {  	[sflag:s29] =	ssyncadd.s32 $0xFFFFFFFF  }
0xbc: {  	_ =	strace $0x90000048  }
0xbd: {  	_ =	sfence  }
0xbe: {  	s30 =	sld [smem:$0x0];
	_ =	sdelay $0x2  }
0xbf: {  	s31 =	sshll.u32 s1, $0xD;
	s1 =	sshrl.u32 s1, $0x2  }
0xc0: {  	s3 =	sand.u32 $0x4000, s31;
	s1 =	sadd.s32 s1, s30  }
0xc1: {  	s0 =	sor.u32 s3, s0;
	s1 =	sshll.u32 s1, $0x11  }
0xc2: {  	s0 =	sor.u32 s1, s0  }
0xc3: {  	s0 =	sadd.s32 $0x8F2B, s0  }
0xc4: {  	[sflag:s0] =	ssyncadd.remote.s32 $0x1  }
0xc5: {  	_ =	sfence.sel $0xFFFF  }
0xc6: {  	[dreg:$0x0] =	wrdreg $0xFFFFFFFF;
	(pc) =	sbr.abs _section_cstart, $3  }
0xc7: {  	[dreg:$0x1] =	wrdreg $0xFFFFFFFF  }
0xc8: {  	_ =	task.clear_ibuf [dreg:s7], $0x2FFFF;
	_ =	strace $0x9FFFFFFF  }
0xc9: {  	(tm) =	ssettm $0x7FFFFFFF  }
tec
execute0_lowered:
.L_overlay_start_1:
0x0: {  	(tag) =	ssettag $0x1  }
0x1: {  	s0 =	rddreg [dreg:$0x0]  }
0x2: {  	s2 =	rddreg [dreg:$0x1]  }
0x3: {  	s1 =	rddreg [dreg:$0x2]  }
0x4: {  	s3 =	srdreg.scid;
	s13 =	stileid.u32  }
0x5: {  	s16 =	simm.s32 $0x6;
	s17 =	simm.s32 $0x5;
	s18 =	simm.s32 $0x2780  }
0x6: {  	s19 =	simm.s32 $0x2880;
	s21 =	simm.s32 $0x2800;
	s22 =	simm.s32 $0x6880  }
0x7: {  	s28 =	simm.s32 $0x7;
	s29 =	simm.s32 $0x2;
	s30 =	simm.s32 $0x4  }
0x8: {  	s6 =	sand.u32 $0x1, s3;
	s23 =	sshrl.u32 s13, $0x2;
	s10 =	smul.u32 $0x4E000, s13  }
0x9: {  	s4 =	sshll.u32 s13, $0x8;
	s3 =	simm.s32 $0x0;
	s31 =	smul.u32 $0x2700, s13  }
0xa: {  	p0 =	sne.s32 s13, $0xF;
	s5 =	smul.u32 $0x13C00, s23;
	s7 =	sshll.u32 s6, $0x7  }
0xb: {  	s4 =	sand.u32 $0x300, s4;
	[smem:$0x7FF] =	sst s3;
	s24 =	smul.u32 $0x27100, s6  }
0xc: {  	s25 =	ssub.s32 $0x2, s6;
	s6 =	sshll.u32 s13, $0x6;
	s13 =	simm.s32 $0x80  }
0xd: {  	s4 =	sor.u32 s7, s4;
	_ =	strace $0x80000047;
	s11 =	sshrl.u32 s25, $0x1  }
0xe: {  	s10 =	sshrl.u32 s10, $0x2;
	s26 =	sor.u32 $0x1C05, s6;
	s4 =	sor.u32 s5, s4  }
0xf: {  	s5 =	sadd.s32 $0x40200, s0;
	s11 =	ssub.s32 s25, s11;
	s12 =	sadd.s32 s10, s1  }
0x10: {  	[dreg:$0x4] =	wrdreg s26;
	s26 =	simm.s32 $0x3;
	s8 =	sshrl.u32 s4, $0x3  }
0x11: {  	s4 =	sadd.s32 $0xB000, s0;
	s11 =	smax.u32 s11, $0x1;
	s12 =	sshrl.u32 s12, $0x3  }
0x12: {  	s9 =	sadd.s32 s8, s0;
	s0 =	sadd.s32 s24, s0;
	s8 =	sadd.s32 s2, s8  }
0x13: {  	s2 =	sadd.s32 $0x138000, s1;
	s24 =	simm.s32 $0x1;
	s9 =	sadd.s32 $0x1200, s9  }
0x14: {  	s10 =	sadd.s32 $0x42A00, s0;
	s15 =	sshrl.u32 @!p0 s2, $0x3;
	s2 =	simm.s32 $0x0  }
0x15: {  	s20 =	sadd.s32 $0x80, s9;
	s23 =	sadd.s32 $0x180, s9;
	s25 =	sadd.s32 s31, s10  }
.LBB2_1:
0x16: {  	s0 =	rddreg [dreg:$0x4]  }
0x17: {  	[spmem:s12], [sflag:s0] =	dma.local [hbm:s5], $0x2700  }
0x18: {  	s14 =	simm.s32 $0x400;
	s0 =	simm.s32 @!p0 $0x1FC7  }
0x19: {  	[tilespmem:s3], [sflag:$0x6] =	stream.strided.gather [hbm4b:s8+s13], $0x2780, s14, s13, $0x38;
	[tilespmem:$0x1E100] =	vst v63  }
0x1a: {  	[spmem:s15], [sflag:s0] =	dma.local @!p0 [hbm:s5], $0x100  }
0x1b: {  	s0 =	simm.s32 @!p0 $0x7  }
0x1c: {  	_ =	swait.ge @!p0 [sflag:s0], $0x100  }
0x1d: {  	[sflag:s0] =	ssyncset.done @!p0 $0x0  }
0x1e: {  	[sflag:s0] =	ssyncadd.s32 @!p0 $0xFFFFFF00  }
0x1f: {  	_ =	swait.ge [sflag:s16], $0x2780  }
0x20: {  	[sflag:s16] =	ssyncset.done $0x0  }
0x21: {  	[sflag:s16] =	ssyncadd.s32 $0xFFFFD880  }
0x22: {  	_ =	swait.ge [sflag:s17], $0x2700  }
0x23: {  	[sflag:s17] =	ssyncset.done $0x0  }
0x24: {  	[sflag:s17] =	ssyncadd.s32 $0xFFFFD900  }
0x25: {  	[bflag:$0x0] =	sbarrier.arrive $0xFFFF  }
0x26: {  	[tilespmem:s18], [sflag:$0x3] =	stream.linear.gather [hbm4b:s9+s3], $0x80, $0x38;
	[tilespmem:$0x1E100] =	vst v63  }
0x27: {  	_ = 	snop  }
0x28: {  	[tilespmem:s19], [sflag:$0x1] =	stream.indirect.gather [hbm4b:s4+s13], $0x80, s3, s13, $0xb8;
	[tilespmem:$0x1E100] =	vst v63  }
0x29: {  	_ = 	snop  }
0x2a: {  	[tilespmem:s21], [sflag:$0x4] =	stream.linear.gather [hbm4b:s20+s3], $0x80, $0x38;
	[tilespmem:$0x1E100] =	vst v63  }
0x2b: {  	_ = 	snop  }
0x2c: {  	[tilespmem:s22], [sflag:$0x2] =	stream.indirect.gather [hbm4b:s4+s13], $0x80, s13, s13, $0xb8;
	[tilespmem:$0x1E100] =	vst v63  }
0x2d: {  	_ =	swait.ge [sflag:s24], $0x4000  }
0x2e: {  	[sflag:s24] =	ssyncset.done $0x0  }
0x2f: {  	[sflag:s24] =	ssyncadd.s32 $0xFFFFC000  }
0x30: {  	_ =	swait.ge [sflag:s26], $0x80  }
0x31: {  	[sflag:s26] =	ssyncset.done $0x0  }
0x32: {  	[sflag:s26] =	ssyncadd.s32 $0xFFFFFF80  }
0x33: {  	[spmem:s1] =	stream.indirect.scatter.add.f32 [tilespmem:s19], [sflag:$0x7], $0x80, s18, s13, $0xb8;
	[tilespmem:$0x1E100] =	vst v63  }
0x34: {  	_ =	swait.ge [sflag:s28], $0x4000  }
0x35: {  	[sflag:s28] =	ssyncset.done $0x0  }
0x36: {  	s7 =	sadd.s32 $0xFFFFFF80, s23;
	[sflag:s28] =	ssyncadd.s32 $0xFFFFC000  }
0x37: {  	[tilespmem:s18], [sflag:$0x3] =	stream.linear.gather [hbm4b:s7+s3], $0x80, $0x38;
	[tilespmem:$0x1E100] =	vst v63  }
0x38: {  	s14 =	simm.s32 $0x100  }
0x39: {  	[tilespmem:s19], [sflag:$0x1] =	stream.indirect.gather [hbm4b:s4+s13], $0x80, s14, s13, $0xb8;
	[tilespmem:$0x1E100] =	vst v63  }
0x3a: {  	_ =	swait.ge [sflag:s29], $0x4000  }
0x3b: {  	[sflag:s29] =	ssyncset.done $0x0  }
0x3c: {  	[sflag:s29] =	ssyncadd.s32 $0xFFFFC000  }
0x3d: {  	_ =	swait.ge [sflag:s30], $0x80  }
0x3e: {  	[sflag:s30] =	ssyncset.done $0x0  }
0x3f: {  	[sflag:s30] =	ssyncadd.s32 $0xFFFFFF80  }
0x40: {  	[spmem:s1] =	stream.indirect.scatter.add.f32 [tilespmem:s22], [sflag:$0x7], $0x80, s21, s13, $0xb8;
	[tilespmem:$0x1E100] =	vst v63  }
0x41: {  	_ =	swait.ge [sflag:s28], $0x4000  }
0x42: {  	s31 =	simm.s32 $0x180;
	[sflag:s28] =	ssyncset.done $0x0  }
0x43: {  	s0 =	simm.s32 $0xFFFF6C00;
	s14 =	sadd.s32 $0x100, s23;
	[sflag:s28] =	ssyncadd.s32 $0xFFFFC000  }
0x44: {  	[tilespmem:s21], [sflag:$0x4] =	stream.linear.gather [hbm4b:s23+s3], $0x80, $0x38;
	[tilespmem:$0x1E100] =	vst v63  }
.LBB2_2:
0x45: {  	[tilespmem:s22], [sflag:$0x2] =	stream.indirect.gather [hbm4b:s4+s13], $0x80, s31, s13, $0xb8;
	[tilespmem:$0x1E100] =	vst v63  }
0x46: {  	s31 =	smov.u32 s0  }
0x47: {  	p1 =	sne.s32 s0, $0xFFFFFC00;
	s0 =	sadd.s32 $0x400, s0;
	_ =	swait.ge [sflag:s24], $0x4000  }
0x48: {  	[sflag:s24] =	ssyncset.done $0x0  }
0x49: {  	[sflag:s24] =	ssyncadd.s32 $0xFFFFC000  }
0x4a: {  	_ =	swait.ge [sflag:s26], $0x80  }
0x4b: {  	[sflag:s26] =	ssyncset.done $0x0  }
0x4c: {  	[sflag:s26] =	ssyncadd.s32 $0xFFFFFF80  }
0x4d: {  	[spmem:s1] =	stream.indirect.scatter.add.f32 [tilespmem:s19], [sflag:$0x7], $0x80, s18, s13, $0xb8;
	[tilespmem:$0x1E100] =	vst v63  }
0x4e: {  	_ =	swait.ge [sflag:s28], $0x4000  }
0x4f: {  	[sflag:s28] =	ssyncset.done $0x0  }
0x50: {  	s7 =	sadd.s32 $0xFFFFFF80, s14;
	s31 =	sshra.s32 s31, $0x2;
	[sflag:s28] =	ssyncadd.s32 $0xFFFFC000  }
0x51: {  	[tilespmem:s18], [sflag:$0x3] =	stream.linear.gather [hbm4b:s7+s3], $0x80, $0x38;
	[tilespmem:$0x1E100] =	vst v63  }
0x52: {  	s7 =	sadd.s32 $0x2700, s31  }
0x53: {  	[tilespmem:s19], [sflag:$0x1] =	stream.indirect.gather [hbm4b:s4+s13], $0x80, s7, s13, $0xb8;
	[tilespmem:$0x1E100] =	vst v63  }
0x54: {  	_ =	swait.ge [sflag:s29], $0x4000  }
0x55: {  	[sflag:s29] =	ssyncset.done $0x0  }
0x56: {  	[sflag:s29] =	ssyncadd.s32 $0xFFFFC000  }
0x57: {  	_ =	swait.ge [sflag:s30], $0x80  }
0x58: {  	[sflag:s30] =	ssyncset.done $0x0  }
0x59: {  	[sflag:s30] =	ssyncadd.s32 $0xFFFFFF80  }
0x5a: {  	[spmem:s1] =	stream.indirect.scatter.add.f32 [tilespmem:s22], [sflag:$0x7], $0x80, s21, s13, $0xb8;
	[tilespmem:$0x1E100] =	vst v63  }
.Ltmp0:
0x5b: {  	_ =	swait.ge [sflag:s28], $0x4000;
	(pc) =	sbr.rel @p1 .LBB2_2-.Ltmp0, $4  }
0x5c: {  	[sflag:s28] =	ssyncset.done $0x0  }
0x5d: {  	[sflag:s28] =	ssyncadd.s32 $0xFFFFC000  }
0x5e: {  	[tilespmem:s21], [sflag:$0x4] =	stream.linear.gather [hbm4b:s14+s3], $0x80, $0x38;
	[tilespmem:$0x1E100] =	vst v63  }
0x5f: {  	s31 =	sadd.s32 $0x2780, s31;
	s14 =	sadd.s32 $0x100, s14  }
0x60: {  	[tilespmem:s22], [sflag:$0x2] =	stream.indirect.gather [hbm4b:s4+s13], $0x80, s31, s13, $0xb8;
	[tilespmem:$0x1E100] =	vst v63  }
0x61: {  	_ =	swait.ge [sflag:s24], $0x4000  }
0x62: {  	[sflag:s24] =	ssyncset.done $0x0  }
0x63: {  	[sflag:s24] =	ssyncadd.s32 $0xFFFFC000  }
0x64: {  	_ =	swait.ge [sflag:s26], $0x80  }
0x65: {  	[sflag:s26] =	ssyncset.done $0x0  }
0x66: {  	[sflag:s26] =	ssyncadd.s32 $0xFFFFFF80  }
0x67: {  	[spmem:s1] =	stream.indirect.scatter.add.f32 [tilespmem:s19], [sflag:$0x7], $0x80, s18, s13, $0xb8;
	[tilespmem:$0x1E100] =	vst v63  }
0x68: {  	_ =	swait.ge [sflag:s28], $0x4000  }
0x69: {  	[sflag:s28] =	ssyncset.done $0x0  }
0x6a: {  	s0 =	sadd.s32 $0x2700, s9;
	[sflag:s28] =	ssyncadd.s32 $0xFFFFC000  }
0x6b: {  	[tilespmem:s18], [sflag:$0x3] =	stream.linear.gather [hbm4b:s0+s3], $0x80, $0x38;
	[tilespmem:$0x1E100] =	vst v63  }
0x6c: {  	s31 =	simm.s32 $0x2700  }
0x6d: {  	[tilespmem:s19], [sflag:$0x1] =	stream.indirect.gather [hbm4b:s4+s13], $0x80, s31, s13, $0xb8;
	[tilespmem:$0x1E100] =	vst v63  }
0x6e: {  	_ =	swait.ge [sflag:s29], $0x4000  }
0x6f: {  	[sflag:s29] =	ssyncset.done $0x0  }
0x70: {  	[sflag:s29] =	ssyncadd.s32 $0xFFFFC000  }
0x71: {  	_ =	swait.ge [sflag:s30], $0x80  }
0x72: {  	[sflag:s30] =	ssyncset.done $0x0  }
0x73: {  	[sflag:s30] =	ssyncadd.s32 $0xFFFFFF80  }
0x74: {  	[spmem:s1] =	stream.indirect.scatter.add.f32 [tilespmem:s22], [sflag:$0x7], $0x80, s21, s13, $0xb8;
	[tilespmem:$0x1E100] =	vst v63  }
0x75: {  	_ =	swait.ge [sflag:s28], $0x4000  }
0x76: {  	[sflag:s28] =	ssyncset.done $0x0  }
0x77: {  	[sflag:s28] =	ssyncadd.s32 $0xFFFFC000  }
0x78: {  	_ =	swait.ge [sflag:s24], $0x4000  }
0x79: {  	[sflag:s24] =	ssyncset.done $0x0  }
0x7a: {  	[sflag:s24] =	ssyncadd.s32 $0xFFFFC000  }
0x7b: {  	_ =	swait.ge [sflag:s26], $0x80  }
0x7c: {  	[sflag:s26] =	ssyncset.done $0x0  }
0x7d: {  	[sflag:s26] =	ssyncadd.s32 $0xFFFFFF80  }
0x7e: {  	[spmem:s1] =	stream.indirect.scatter.add.f32 [tilespmem:s19], [sflag:$0x7], $0x80, s18, s13, $0xb8;
	[tilespmem:$0x1E100] =	vst v63  }
0x7f: {  	_ =	swait.ge [sflag:s28], $0x4000  }
0x80: {  	[sflag:s28] =	ssyncset.done $0x0  }
0x81: {  	[sflag:s28] =	ssyncadd.s32 $0xFFFFC000  }
0x82: {  	s0 =	sor.u32 $0x1C07, s6;
	[bflag:$0x0] =	sbarrier.arrive $0xFFFF  }
0x83: {  	[hbm:s25], [sflag:s0] =	dma.local [spmem:s12], $0x2700  }
0x84: {  	_ =	swait.ge [sflag:s28], $0x2700  }
0x85: {  	s2 =	sadd.s32 $0x1, s2;
	[sflag:s28] =	ssyncset.done $0x0  }
0x86: {  	s7 =	sadd.s32 @!p0 $0x27000, s10;
	p1 =	sne.s32 s2, s11;
	[sflag:s28] =	ssyncadd.s32 $0xFFFFD900  }
0x87: {  	[hbm:s7], [sflag:s0] =	dma.local @!p0 [spmem:s15], $0x100  }
.Ltmp1:
0x88: {  	_ = 	snop;
	(pc) =	sbr.rel @p1 .LBB2_1-.Ltmp1, $4  }
0x89: {  	s0 =	simm.s32 @!p0 $0x7  }
0x8a: {  	_ =	swait.ge @!p0 [sflag:s0], $0x100  }
0x8b: {  	[sflag:s0] =	ssyncset.done @!p0 $0x0  }
0x8c: {  	[sflag:s0] =	ssyncadd.s32 @!p0 $0xFFFFFF00  }
0x8d: {  	_ =	sfence.sel $0x180000  }
0x8e: {  	[bflag:$0x0] =	sbarrier.arrive $0xFFFF  }
0x8f: {  	_ =	strace $0x90000047  }
0x90: {  	s0 =	stileid.u32;
	[bflag:$0x2] =	sbarrier.arrive $0xFFFF  }
0x91: {  	p0 =	sne.s32 s0, $0x0;
	s0 =	rddreg [dreg:$0x3]  }
0x92: {  	s0 =	sadd.s32 @!p0 $0x100000, s0  }
0x93: {  	[sflag:s0] =	ssyncadd.tile.s32 @!p0 $0x1;
	_ =	shalt  }
.Lfunc_end2:
_tile_overlayer_lowered:
.L_overlay_start_2:
0x94: {  	(tag) =	ssettag $0x2  }
0x95: {  	s0 =	rddreg [dreg:$0x0];
	s2 =	stileid.u32  }
0x96: {  	s1 =	rddreg [dreg:$0x1];
	p0 =	sne.s32 s2, $0x0  }
0x97: {  	s3 =	rddreg [dreg:$0x2];
	[bflag:$0x3] =	sbarrier.arrive $0xFFFF;
	s2 =	simm.s32 @!p0 $0x1C07  }
0x98: {  	[timem:s3], [sflag:s2] =	dma.local @!p0 [hbm:s0], s1  }
0x99: {  	s0 =	simm.s32 @!p0 $0x7  }
0x9a: {  	_ =	swait.ge @!p0 [sflag:s0], s1  }
0x9b: {  	s1 =	ssub.s32 @!p0 $0x0, s1;
	[sflag:s0] =	ssyncset.done @!p0 $0x0  }
0x9c: {  	[sflag:s0] =	ssyncadd.s32 @!p0 s1  }
0x9d: {  	[bflag:$0x3] =	sbarrier.arrive $0xFFFF  }
0x9e: {  	_ =	shalt  }

</sc_bundles>
